<compile_context>
chip_gen: v7x
topology: tpu7x:2x2x1
jax: 0.10.2.dev20260603
libtpu: 0.0.44.dev20260713+nightly
codegen_flags: <defaults>
</compile_context>

<pallas_src>
import dataclasses
import functools

import jax
import jax.numpy as jnp
from jax import lax
from jax.experimental import pallas as pl
from jax.experimental.pallas import tpu as pltpu
from jax.experimental.pallas import tpu_sc as plsc

N_TOKENS = 32768
N_EMBED = 768
NUM_EXPERTS = 8
TOP_K = 2

BT = 4096
CHUNKS = 1

NC, NS, L = 2, 16, 16
NW = NC * NS


def _logits_kernel(x_ref, wt_ref, b_ref, lt_ref):
    logits = jax.lax.dot_general(
        x_ref[...], wt_ref[...],
        dimension_numbers=(((1,), (0,)), ((), ())),
        preferred_element_type=jnp.float32,
    )
    lt_ref[...] = logits.T + b_ref[...]


def _tc_logits_chunk(x, wt, b2, chunk_tokens, chunk_idx):
    steps = chunk_tokens // BT
    off = chunk_idx * steps
    return pl.pallas_call(
        _logits_kernel,
        grid=(steps,),
        in_specs=[
            pl.BlockSpec((BT, N_EMBED), lambda i: (i + off, 0)),
            pl.BlockSpec((N_EMBED, NUM_EXPERTS), lambda i: (0, 0)),
            pl.BlockSpec((NUM_EXPERTS, 1), lambda i: (0, 0)),
        ],
        out_specs=pl.BlockSpec((NUM_EXPERTS, BT), lambda i: (0, i)),
        out_shape=jax.ShapeDtypeStruct((NUM_EXPERTS, chunk_tokens),
                                       jnp.float32),
    )(x, wt, b2)


def _sc_route(lt):
    n = lt.shape[1]
    bpw = n // NW
    mesh = plsc.VectorSubcoreMesh(core_axis_name="c", subcore_axis_name="s")
    cp = pltpu.CompilerParams()
    if "needs_layout_passes" in pltpu.CompilerParams.__dataclass_fields__:
        cp = dataclasses.replace(cp, needs_layout_passes=False)

    @functools.partial(
        pl.kernel,
        mesh=mesh,
        compiler_params=cp,
        out_type=[
            jax.ShapeDtypeStruct((n * NUM_EXPERTS,), jnp.float32),
            jax.ShapeDtypeStruct((n * TOP_K,), jnp.int32),
        ],
        scratch_types=(
            [pltpu.VMEM((bpw,), jnp.float32) for _ in range(NUM_EXPERTS)]
            + [pltpu.VMEM((bpw * NUM_EXPERTS,), jnp.float32),
               pltpu.VMEM((bpw * TOP_K,), jnp.int32),
               pltpu.SemaphoreType.DMA]
        ),
    )
    def route(lt_hbm, out_hbm, idx_hbm, *scratch):
        l_refs = scratch[:NUM_EXPERTS]
        o_ref, i_ref, sem = scratch[NUM_EXPERTS:]
        wid = lax.axis_index("s") * NC + lax.axis_index("c")
        base = wid * bpw
        copies = [
            pltpu.async_copy(lt_hbm.at[e, pl.ds(base, bpw)], l_refs[e], sem)
            for e in range(NUM_EXPERTS)
        ]
        for c in copies:
            c.wait()

        @pl.loop(0, bpw, step=L)
        def _(c):
            sl = pl.ds(c, L)
            lv = [l_refs[e][sl] for e in range(NUM_EXPERTS)]
            m1 = lv[0]
            i1 = jnp.zeros((L,), jnp.int32)
            m2 = jnp.full((L,), -jnp.inf, jnp.float32)
            i2 = jnp.zeros((L,), jnp.int32)
            for e in range(1, NUM_EXPERTS):
                gt1 = lv[e] > m1
                gt2 = lv[e] > m2
                nm2 = jnp.where(gt1, m1, jnp.where(gt2, lv[e], m2))
                ni2 = jnp.where(gt1, i1, jnp.where(gt2, e, i2))
                m1 = jnp.where(gt1, lv[e], m1)
                i1 = jnp.where(gt1, e, i1)
                m2, i2 = nm2, ni2
            e2 = jnp.exp(m2 - m1)
            p1 = 1.0 / (1.0 + e2)
            p2 = e2 * p1
            zero = jnp.zeros((L,), jnp.float32)
            t8 = (c + lax.iota(jnp.int32, L)) * NUM_EXPERTS
            t2 = (c + lax.iota(jnp.int32, L)) * TOP_K
            for e in range(NUM_EXPERTS):
                v = jnp.where(i1 == e, p1, jnp.where(i2 == e, p2, zero))
                plsc.store_scatter(o_ref, [t8 + e], v)
            plsc.store_scatter(i_ref, [t2], i1)
            plsc.store_scatter(i_ref, [t2 + 1], i2)

        out_copies = [
            pltpu.async_copy(
                o_ref, out_hbm.at[pl.ds(base * NUM_EXPERTS, bpw * NUM_EXPERTS)],
                sem),
            pltpu.async_copy(
                i_ref, idx_hbm.at[pl.ds(base * TOP_K, bpw * TOP_K)], sem),
        ]
        for c in out_copies:
            c.wait()

    return route(lt)


@jax.jit
def kernel(x, W, b):
    n_tokens = x.shape[0]
    chunk = n_tokens // CHUNKS
    wt = W.T
    b2 = b.reshape(NUM_EXPERTS, 1)
    outs, idxs = [], []
    for c in range(CHUNKS):
        lt_c = _tc_logits_chunk(x, wt, b2, chunk, c)
        o_c, i_c = _sc_route(lt_c)
        outs.append(o_c.reshape(chunk, NUM_EXPERTS))
        idxs.append(i_c.reshape(chunk, TOP_K))
    if CHUNKS == 1:
        return outs[0], idxs[0]
    return jnp.concatenate(outs, 0), jnp.concatenate(idxs, 0)

# --- scband reference (transcript-rebuilt; emitter-appended) ---
"""Pipeline reference for scband-top-krouter-21741124452485 (READ-ONLY COPY).

The authoritative reference and input builder live on the scoring server;
editing this copy changes nothing except your own understanding.
"""

import jax, jax.numpy as jnp
import numpy as np

N_TOKENS = 32768
N_EMBED = 768
NUM_EXPERTS = 8
TOP_K = 2


def setup_inputs(seed: int = 0) -> dict:
    key = jax.random.key(seed)
    k1, k2, k3 = jax.random.split(key, 3)
    x = jax.random.normal(k1, (N_TOKENS, N_EMBED), dtype=jnp.float32)
    # nn.Linear(n_embed, num_experts): weight [num_experts, n_embed], bias [num_experts]
    bound = 1.0 / np.sqrt(N_EMBED)
    W = jax.random.uniform(k2, (NUM_EXPERTS, N_EMBED), dtype=jnp.float32, minval=-bound, maxval=bound)
    b = jax.random.uniform(k3, (NUM_EXPERTS,), dtype=jnp.float32, minval=-bound, maxval=bound)
    return {"x": x, "W": W, "b": b}


def reference(x, W, b):
    # logits = self.linear(x)
    logits = x @ W.T + b
    # top_k_logits, indices = logits.topk(self.top_k, dim=-1)
    top_k_logits, indices = jax.lax.top_k(logits, TOP_K)
    # zeros = torch.full_like(logits, float('-inf'))
    # sparse_logits = zeros.scatter(-1, indices, top_k_logits)
    rows = jnp.arange(logits.shape[0])[:, None]
    sparse_logits = jnp.full_like(logits, -jnp.inf).at[rows, indices].set(top_k_logits)
    # router_output = F.softmax(sparse_logits, dim=-1)
    router_output = jax.nn.softmax(sparse_logits, axis=-1)
    return router_output, indices

if __name__ == "__main__":
    import jax
    _d = setup_inputs()
    print(jax.jit(kernel)(*tuple(_d.values())))

</pallas_src>

<mosaic_0001>
#map = affine_map<(d0, d1) -> (0, 0)>
#map1 = affine_map<(d0, d1) -> (0)>
module attributes {stable_mosaic.version = 14 : i64} {
  func.func @route(%arg0: i32, %arg1: i32, %arg2: memref<8x32768xf32, #tpu.memory_space<hbm>>, %arg3: memref<262144xf32, #tpu.memory_space<hbm>>, %arg4: memref<65536xi32, #tpu.memory_space<hbm>>, %arg5: memref<1024xf32, #tpu.memory_space<vmem>>, %arg6: memref<1024xf32, #tpu.memory_space<vmem>>, %arg7: memref<1024xf32, #tpu.memory_space<vmem>>, %arg8: memref<1024xf32, #tpu.memory_space<vmem>>, %arg9: memref<1024xf32, #tpu.memory_space<vmem>>, %arg10: memref<1024xf32, #tpu.memory_space<vmem>>, %arg11: memref<1024xf32, #tpu.memory_space<vmem>>, %arg12: memref<1024xf32, #tpu.memory_space<vmem>>, %arg13: memref<8192xf32, #tpu.memory_space<vmem>>, %arg14: memref<2048xi32, #tpu.memory_space<vmem>>, %arg15: memref<!tpu.dma_semaphore, #tpu.memory_space<semaphore_mem>>) attributes {dimension_semantics = [#tpu.dimension_semantics<core_parallel>, #tpu.dimension_semantics<subcore_parallel>], iteration_bounds = array<i64: 2, 16>, scalar_prefetch = 0 : i64, scratch_operands = 11 : i64, tpu.core_type = #tpu.core_type<sc_vector_subcore>, window_params = [{transform_indices = #map}, {transform_indices = #map1}, {transform_indices = #map1}]} {
    %mul3A = arith.constant 2 : i32
    %mul3A_0 = arith.muli %arg1, %mul3A : i32
    %add3A = arith.addi %mul3A_0, %arg0 : i32
    %mul3A_1 = arith.constant 1024 : i32
    %mul3A_2 = arith.muli %add3A, %mul3A_1 : i32
    %dma_start3A = arith.constant 0 : i32
    %dma_start3A_3 = tpu.memref_slice %arg2[%dma_start3A, %mul3A_2] : memref<8x32768xf32, #tpu.memory_space<hbm>> -> memref<1x1024xf32, #tpu.memory_space<hbm>>
    %dma_start3A_4 = tpu.memref_squeeze %dma_start3A_3 : memref<1x1024xf32, #tpu.memory_space<hbm>> -> memref<1024xf32, #tpu.memory_space<hbm>>
    %dma_start3A_5 = tpu.memref_slice %arg2[%dma_start3A, %mul3A_2] : memref<8x32768xf32, #tpu.memory_space<hbm>> -> memref<1x1024xf32, #tpu.memory_space<hbm>>
    %dma_start3A_6 = tpu.memref_squeeze %dma_start3A_5 : memref<1x1024xf32, #tpu.memory_space<hbm>> -> memref<1024xf32, #tpu.memory_space<hbm>>
    tpu.enqueue_dma source(%dma_start3A_6 : memref<1024xf32, #tpu.memory_space<hbm>>) target(%arg5 : memref<1024xf32, #tpu.memory_space<vmem>>) target_semaphore(%arg15 : memref<!tpu.dma_semaphore, #tpu.memory_space<semaphore_mem>>)
    %dma_start3A_7 = arith.constant 1 : i32
    %dma_start3A_8 = tpu.memref_slice %arg2[%dma_start3A_7, %mul3A_2] : memref<8x32768xf32, #tpu.memory_space<hbm>> -> memref<1x1024xf32, #tpu.memory_space<hbm>>
    %dma_start3A_9 = tpu.memref_squeeze %dma_start3A_8 : memref<1x1024xf32, #tpu.memory_space<hbm>> -> memref<1024xf32, #tpu.memory_space<hbm>>
    %dma_start3A_10 = tpu.memref_slice %arg2[%dma_start3A_7, %mul3A_2] : memref<8x32768xf32, #tpu.memory_space<hbm>> -> memref<1x1024xf32, #tpu.memory_space<hbm>>
    %dma_start3A_11 = tpu.memref_squeeze %dma_start3A_10 : memref<1x1024xf32, #tpu.memory_space<hbm>> -> memref<1024xf32, #tpu.memory_space<hbm>>
    tpu.enqueue_dma source(%dma_start3A_11 : memref<1024xf32, #tpu.memory_space<hbm>>) target(%arg6 : memref<1024xf32, #tpu.memory_space<vmem>>) target_semaphore(%arg15 : memref<!tpu.dma_semaphore, #tpu.memory_space<semaphore_mem>>)
    %dma_start3A_12 = arith.constant 2 : i32
    %dma_start3A_13 = tpu.memref_slice %arg2[%dma_start3A_12, %mul3A_2] : memref<8x32768xf32, #tpu.memory_space<hbm>> -> memref<1x1024xf32, #tpu.memory_space<hbm>>
    %dma_start3A_14 = tpu.memref_squeeze %dma_start3A_13 : memref<1x1024xf32, #tpu.memory_space<hbm>> -> memref<1024xf32, #tpu.memory_space<hbm>>
    %dma_start3A_15 = tpu.memref_slice %arg2[%dma_start3A_12, %mul3A_2] : memref<8x32768xf32, #tpu.memory_space<hbm>> -> memref<1x1024xf32, #tpu.memory_space<hbm>>
    %dma_start3A_16 = tpu.memref_squeeze %dma_start3A_15 : memref<1x1024xf32, #tpu.memory_space<hbm>> -> memref<1024xf32, #tpu.memory_space<hbm>>
    tpu.enqueue_dma source(%dma_start3A_16 : memref<1024xf32, #tpu.memory_space<hbm>>) target(%arg7 : memref<1024xf32, #tpu.memory_space<vmem>>) target_semaphore(%arg15 : memref<!tpu.dma_semaphore, #tpu.memory_space<semaphore_mem>>)
    %dma_start3A_17 = arith.constant 3 : i32
    %dma_start3A_18 = tpu.memref_slice %arg2[%dma_start3A_17, %mul3A_2] : memref<8x32768xf32, #tpu.memory_space<hbm>> -> memref<1x1024xf32, #tpu.memory_space<hbm>>
    %dma_start3A_19 = tpu.memref_squeeze %dma_start3A_18 : memref<1x1024xf32, #tpu.memory_space<hbm>> -> memref<1024xf32, #tpu.memory_space<hbm>>
    %dma_start3A_20 = tpu.memref_slice %arg2[%dma_start3A_17, %mul3A_2] : memref<8x32768xf32, #tpu.memory_space<hbm>> -> memref<1x1024xf32, #tpu.memory_space<hbm>>
    %dma_start3A_21 = tpu.memref_squeeze %dma_start3A_20 : memref<1x1024xf32, #tpu.memory_space<hbm>> -> memref<1024xf32, #tpu.memory_space<hbm>>
    tpu.enqueue_dma source(%dma_start3A_21 : memref<1024xf32, #tpu.memory_space<hbm>>) target(%arg8 : memref<1024xf32, #tpu.memory_space<vmem>>) target_semaphore(%arg15 : memref<!tpu.dma_semaphore, #tpu.memory_space<semaphore_mem>>)
    %dma_start3A_22 = arith.constant 4 : i32
    %dma_start3A_23 = tpu.memref_slice %arg2[%dma_start3A_22, %mul3A_2] : memref<8x32768xf32, #tpu.memory_space<hbm>> -> memref<1x1024xf32, #tpu.memory_space<hbm>>
    %dma_start3A_24 = tpu.memref_squeeze %dma_start3A_23 : memref<1x1024xf32, #tpu.memory_space<hbm>> -> memref<1024xf32, #tpu.memory_space<hbm>>
    %dma_start3A_25 = tpu.memref_slice %arg2[%dma_start3A_22, %mul3A_2] : memref<8x32768xf32, #tpu.memory_space<hbm>> -> memref<1x1024xf32, #tpu.memory_space<hbm>>
    %dma_start3A_26 = tpu.memref_squeeze %dma_start3A_25 : memref<1x1024xf32, #tpu.memory_space<hbm>> -> memref<1024xf32, #tpu.memory_space<hbm>>
    tpu.enqueue_dma source(%dma_start3A_26 : memref<1024xf32, #tpu.memory_space<hbm>>) target(%arg9 : memref<1024xf32, #tpu.memory_space<vmem>>) target_semaphore(%arg15 : memref<!tpu.dma_semaphore, #tpu.memory_space<semaphore_mem>>)
    %dma_start3A_27 = arith.constant 5 : i32
    %dma_start3A_28 = tpu.memref_slice %arg2[%dma_start3A_27, %mul3A_2] : memref<8x32768xf32, #tpu.memory_space<hbm>> -> memref<1x1024xf32, #tpu.memory_space<hbm>>
    %dma_start3A_29 = tpu.memref_squeeze %dma_start3A_28 : memref<1x1024xf32, #tpu.memory_space<hbm>> -> memref<1024xf32, #tpu.memory_space<hbm>>
    %dma_start3A_30 = tpu.memref_slice %arg2[%dma_start3A_27, %mul3A_2] : memref<8x32768xf32, #tpu.memory_space<hbm>> -> memref<1x1024xf32, #tpu.memory_space<hbm>>
    %dma_start3A_31 = tpu.memref_squeeze %dma_start3A_30 : memref<1x1024xf32, #tpu.memory_space<hbm>> -> memref<1024xf32, #tpu.memory_space<hbm>>
    tpu.enqueue_dma source(%dma_start3A_31 : memref<1024xf32, #tpu.memory_space<hbm>>) target(%arg10 : memref<1024xf32, #tpu.memory_space<vmem>>) target_semaphore(%arg15 : memref<!tpu.dma_semaphore, #tpu.memory_space<semaphore_mem>>)
    %dma_start3A_32 = arith.constant 6 : i32
    %dma_start3A_33 = tpu.memref_slice %arg2[%dma_start3A_32, %mul3A_2] : memref<8x32768xf32, #tpu.memory_space<hbm>> -> memref<1x1024xf32, #tpu.memory_space<hbm>>
    %dma_start3A_34 = tpu.memref_squeeze %dma_start3A_33 : memref<1x1024xf32, #tpu.memory_space<hbm>> -> memref<1024xf32, #tpu.memory_space<hbm>>
    %dma_start3A_35 = tpu.memref_slice %arg2[%dma_start3A_32, %mul3A_2] : memref<8x32768xf32, #tpu.memory_space<hbm>> -> memref<1x1024xf32, #tpu.memory_space<hbm>>
    %dma_start3A_36 = tpu.memref_squeeze %dma_start3A_35 : memref<1x1024xf32, #tpu.memory_space<hbm>> -> memref<1024xf32, #tpu.memory_space<hbm>>
    tpu.enqueue_dma source(%dma_start3A_36 : memref<1024xf32, #tpu.memory_space<hbm>>) target(%arg11 : memref<1024xf32, #tpu.memory_space<vmem>>) target_semaphore(%arg15 : memref<!tpu.dma_semaphore, #tpu.memory_space<semaphore_mem>>)
    %dma_start3A_37 = arith.constant 7 : i32
    %dma_start3A_38 = tpu.memref_slice %arg2[%dma_start3A_37, %mul3A_2] : memref<8x32768xf32, #tpu.memory_space<hbm>> -> memref<1x1024xf32, #tpu.memory_space<hbm>>
    %dma_start3A_39 = tpu.memref_squeeze %dma_start3A_38 : memref<1x1024xf32, #tpu.memory_space<hbm>> -> memref<1024xf32, #tpu.memory_space<hbm>>
    %dma_start3A_40 = tpu.memref_slice %arg2[%dma_start3A_37, %mul3A_2] : memref<8x32768xf32, #tpu.memory_space<hbm>> -> memref<1x1024xf32, #tpu.memory_space<hbm>>
    %dma_start3A_41 = tpu.memref_squeeze %dma_start3A_40 : memref<1x1024xf32, #tpu.memory_space<hbm>> -> memref<1024xf32, #tpu.memory_space<hbm>>
    tpu.enqueue_dma source(%dma_start3A_41 : memref<1024xf32, #tpu.memory_space<hbm>>) target(%arg12 : memref<1024xf32, #tpu.memory_space<vmem>>) target_semaphore(%arg15 : memref<!tpu.dma_semaphore, #tpu.memory_space<semaphore_mem>>)
    %dma_wait3A = arith.constant 0 : i32
    %dma_wait3A_42 = tpu.memref_slice %arg2[%dma_wait3A, %mul3A_2] : memref<8x32768xf32, #tpu.memory_space<hbm>> -> memref<1x1024xf32, #tpu.memory_space<hbm>>
    %dma_wait3A_43 = tpu.memref_squeeze %dma_wait3A_42 : memref<1x1024xf32, #tpu.memory_space<hbm>> -> memref<1024xf32, #tpu.memory_space<hbm>>
    %dma_wait3A_44 = tpu.memref_slice %arg2[%dma_wait3A, %mul3A_2] : memref<8x32768xf32, #tpu.memory_space<hbm>> -> memref<1x1024xf32, #tpu.memory_space<hbm>>
    %dma_wait3A_45 = tpu.memref_squeeze %dma_wait3A_44 : memref<1x1024xf32, #tpu.memory_space<hbm>> -> memref<1024xf32, #tpu.memory_space<hbm>>
    tpu.wait_dma2 semaphore(%arg15 : memref<!tpu.dma_semaphore, #tpu.memory_space<semaphore_mem>>) src(%dma_wait3A_45 : memref<1024xf32, #tpu.memory_space<hbm>>) dst(%arg5 : memref<1024xf32, #tpu.memory_space<vmem>>)
    %dma_wait3A_46 = arith.constant 1 : i32
    %dma_wait3A_47 = tpu.memref_slice %arg2[%dma_wait3A_46, %mul3A_2] : memref<8x32768xf32, #tpu.memory_space<hbm>> -> memref<1x1024xf32, #tpu.memory_space<hbm>>
    %dma_wait3A_48 = tpu.memref_squeeze %dma_wait3A_47 : memref<1x1024xf32, #tpu.memory_space<hbm>> -> memref<1024xf32, #tpu.memory_space<hbm>>
    %dma_wait3A_49 = tpu.memref_slice %arg2[%dma_wait3A_46, %mul3A_2] : memref<8x32768xf32, #tpu.memory_space<hbm>> -> memref<1x1024xf32, #tpu.memory_space<hbm>>
    %dma_wait3A_50 = tpu.memref_squeeze %dma_wait3A_49 : memref<1x1024xf32, #tpu.memory_space<hbm>> -> memref<1024xf32, #tpu.memory_space<hbm>>
    tpu.wait_dma2 semaphore(%arg15 : memref<!tpu.dma_semaphore, #tpu.memory_space<semaphore_mem>>) src(%dma_wait3A_50 : memref<1024xf32, #tpu.memory_space<hbm>>) dst(%arg6 : memref<1024xf32, #tpu.memory_space<vmem>>)
    %dma_wait3A_51 = arith.constant 2 : i32
    %dma_wait3A_52 = tpu.memref_slice %arg2[%dma_wait3A_51, %mul3A_2] : memref<8x32768xf32, #tpu.memory_space<hbm>> -> memref<1x1024xf32, #tpu.memory_space<hbm>>
    %dma_wait3A_53 = tpu.memref_squeeze %dma_wait3A_52 : memref<1x1024xf32, #tpu.memory_space<hbm>> -> memref<1024xf32, #tpu.memory_space<hbm>>
    %dma_wait3A_54 = tpu.memref_slice %arg2[%dma_wait3A_51, %mul3A_2] : memref<8x32768xf32, #tpu.memory_space<hbm>> -> memref<1x1024xf32, #tpu.memory_space<hbm>>
    %dma_wait3A_55 = tpu.memref_squeeze %dma_wait3A_54 : memref<1x1024xf32, #tpu.memory_space<hbm>> -> memref<1024xf32, #tpu.memory_space<hbm>>
    tpu.wait_dma2 semaphore(%arg15 : memref<!tpu.dma_semaphore, #tpu.memory_space<semaphore_mem>>) src(%dma_wait3A_55 : memref<1024xf32, #tpu.memory_space<hbm>>) dst(%arg7 : memref<1024xf32, #tpu.memory_space<vmem>>)
    %dma_wait3A_56 = arith.constant 3 : i32
    %dma_wait3A_57 = tpu.memref_slice %arg2[%dma_wait3A_56, %mul3A_2] : memref<8x32768xf32, #tpu.memory_space<hbm>> -> memref<1x1024xf32, #tpu.memory_space<hbm>>
    %dma_wait3A_58 = tpu.memref_squeeze %dma_wait3A_57 : memref<1x1024xf32, #tpu.memory_space<hbm>> -> memref<1024xf32, #tpu.memory_space<hbm>>
    %dma_wait3A_59 = tpu.memref_slice %arg2[%dma_wait3A_56, %mul3A_2] : memref<8x32768xf32, #tpu.memory_space<hbm>> -> memref<1x1024xf32, #tpu.memory_space<hbm>>
    %dma_wait3A_60 = tpu.memref_squeeze %dma_wait3A_59 : memref<1x1024xf32, #tpu.memory_space<hbm>> -> memref<1024xf32, #tpu.memory_space<hbm>>
    tpu.wait_dma2 semaphore(%arg15 : memref<!tpu.dma_semaphore, #tpu.memory_space<semaphore_mem>>) src(%dma_wait3A_60 : memref<1024xf32, #tpu.memory_space<hbm>>) dst(%arg8 : memref<1024xf32, #tpu.memory_space<vmem>>)
    %dma_wait3A_61 = arith.constant 4 : i32
    %dma_wait3A_62 = tpu.memref_slice %arg2[%dma_wait3A_61, %mul3A_2] : memref<8x32768xf32, #tpu.memory_space<hbm>> -> memref<1x1024xf32, #tpu.memory_space<hbm>>
    %dma_wait3A_63 = tpu.memref_squeeze %dma_wait3A_62 : memref<1x1024xf32, #tpu.memory_space<hbm>> -> memref<1024xf32, #tpu.memory_space<hbm>>
    %dma_wait3A_64 = tpu.memref_slice %arg2[%dma_wait3A_61, %mul3A_2] : memref<8x32768xf32, #tpu.memory_space<hbm>> -> memref<1x1024xf32, #tpu.memory_space<hbm>>
    %dma_wait3A_65 = tpu.memref_squeeze %dma_wait3A_64 : memref<1x1024xf32, #tpu.memory_space<hbm>> -> memref<1024xf32, #tpu.memory_space<hbm>>
    tpu.wait_dma2 semaphore(%arg15 : memref<!tpu.dma_semaphore, #tpu.memory_space<semaphore_mem>>) src(%dma_wait3A_65 : memref<1024xf32, #tpu.memory_space<hbm>>) dst(%arg9 : memref<1024xf32, #tpu.memory_space<vmem>>)
    %dma_wait3A_66 = arith.constant 5 : i32
    %dma_wait3A_67 = tpu.memref_slice %arg2[%dma_wait3A_66, %mul3A_2] : memref<8x32768xf32, #tpu.memory_space<hbm>> -> memref<1x1024xf32, #tpu.memory_space<hbm>>
    %dma_wait3A_68 = tpu.memref_squeeze %dma_wait3A_67 : memref<1x1024xf32, #tpu.memory_space<hbm>> -> memref<1024xf32, #tpu.memory_space<hbm>>
    %dma_wait3A_69 = tpu.memref_slice %arg2[%dma_wait3A_66, %mul3A_2] : memref<8x32768xf32, #tpu.memory_space<hbm>> -> memref<1x1024xf32, #tpu.memory_space<hbm>>
    %dma_wait3A_70 = tpu.memref_squeeze %dma_wait3A_69 : memref<1x1024xf32, #tpu.memory_space<hbm>> -> memref<1024xf32, #tpu.memory_space<hbm>>
    tpu.wait_dma2 semaphore(%arg15 : memref<!tpu.dma_semaphore, #tpu.memory_space<semaphore_mem>>) src(%dma_wait3A_70 : memref<1024xf32, #tpu.memory_space<hbm>>) dst(%arg10 : memref<1024xf32, #tpu.memory_space<vmem>>)
    %dma_wait3A_71 = arith.constant 6 : i32
    %dma_wait3A_72 = tpu.memref_slice %arg2[%dma_wait3A_71, %mul3A_2] : memref<8x32768xf32, #tpu.memory_space<hbm>> -> memref<1x1024xf32, #tpu.memory_space<hbm>>
    %dma_wait3A_73 = tpu.memref_squeeze %dma_wait3A_72 : memref<1x1024xf32, #tpu.memory_space<hbm>> -> memref<1024xf32, #tpu.memory_space<hbm>>
    %dma_wait3A_74 = tpu.memref_slice %arg2[%dma_wait3A_71, %mul3A_2] : memref<8x32768xf32, #tpu.memory_space<hbm>> -> memref<1x1024xf32, #tpu.memory_space<hbm>>
    %dma_wait3A_75 = tpu.memref_squeeze %dma_wait3A_74 : memref<1x1024xf32, #tpu.memory_space<hbm>> -> memref<1024xf32, #tpu.memory_space<hbm>>
    tpu.wait_dma2 semaphore(%arg15 : memref<!tpu.dma_semaphore, #tpu.memory_space<semaphore_mem>>) src(%dma_wait3A_75 : memref<1024xf32, #tpu.memory_space<hbm>>) dst(%arg11 : memref<1024xf32, #tpu.memory_space<vmem>>)
    %dma_wait3A_76 = arith.constant 7 : i32
    %dma_wait3A_77 = tpu.memref_slice %arg2[%dma_wait3A_76, %mul3A_2] : memref<8x32768xf32, #tpu.memory_space<hbm>> -> memref<1x1024xf32, #tpu.memory_space<hbm>>
    %dma_wait3A_78 = tpu.memref_squeeze %dma_wait3A_77 : memref<1x1024xf32, #tpu.memory_space<hbm>> -> memref<1024xf32, #tpu.memory_space<hbm>>
    %dma_wait3A_79 = tpu.memref_slice %arg2[%dma_wait3A_76, %mul3A_2] : memref<8x32768xf32, #tpu.memory_space<hbm>> -> memref<1x1024xf32, #tpu.memory_space<hbm>>
    %dma_wait3A_80 = tpu.memref_squeeze %dma_wait3A_79 : memref<1x1024xf32, #tpu.memory_space<hbm>> -> memref<1024xf32, #tpu.memory_space<hbm>>
    tpu.wait_dma2 semaphore(%arg15 : memref<!tpu.dma_semaphore, #tpu.memory_space<semaphore_mem>>) src(%dma_wait3A_80 : memref<1024xf32, #tpu.memory_space<hbm>>) dst(%arg12 : memref<1024xf32, #tpu.memory_space<vmem>>)
    %scan3A = arith.constant 0 : i32
    %scan3A_81 = arith.constant 64 : i32
    %scan3A_82 = arith.addi %scan3A, %scan3A_81 : i32
    %scan3A_83 = arith.constant 1 : i32
    scf.for %scan3A_97 = %scan3A to %scan3A_82 step %scan3A_83  : i32 {
      %mul3A_98 = arith.constant 16 : i32
      %mul3A_99 = arith.muli %scan3A_97, %mul3A_98 : i32
      %add3A_100 = arith.constant 0 : i32
      %add3A_101 = arith.addi %add3A_100, %mul3A_99 : i32
      %get3A = arith.index_cast %add3A_101 : i32 to index
      %get3A_102 = tpu.vector_load %arg5[%get3A] {strides = array<i32>} : memref<1024xf32, #tpu.memory_space<vmem>>, vector<16xf32>,
      %get3A_103 = arith.index_cast %add3A_101 : i32 to index
      %get3A_104 = tpu.vector_load %arg6[%get3A_103] {strides = array<i32>} : memref<1024xf32, #tpu.memory_space<vmem>>, vector<16xf32>,
      %get3A_105 = arith.index_cast %add3A_101 : i32 to index
      %get3A_106 = tpu.vector_load %arg7[%get3A_105] {strides = array<i32>} : memref<1024xf32, #tpu.memory_space<vmem>>, vector<16xf32>,
      %get3A_107 = arith.index_cast %add3A_101 : i32 to index
      %get3A_108 = tpu.vector_load %arg8[%get3A_107] {strides = array<i32>} : memref<1024xf32, #tpu.memory_space<vmem>>, vector<16xf32>,
      %get3A_109 = arith.index_cast %add3A_101 : i32 to index
      %get3A_110 = tpu.vector_load %arg9[%get3A_109] {strides = array<i32>} : memref<1024xf32, #tpu.memory_space<vmem>>, vector<16xf32>,
      %get3A_111 = arith.index_cast %add3A_101 : i32 to index
      %get3A_112 = tpu.vector_load %arg10[%get3A_111] {strides = array<i32>} : memref<1024xf32, #tpu.memory_space<vmem>>, vector<16xf32>,
      %get3A_113 = arith.index_cast %add3A_101 : i32 to index
      %get3A_114 = tpu.vector_load %arg11[%get3A_113] {strides = array<i32>} : memref<1024xf32, #tpu.memory_space<vmem>>, vector<16xf32>,
      %get3A_115 = arith.index_cast %add3A_101 : i32 to index
      %get3A_116 = tpu.vector_load %arg12[%get3A_115] {strides = array<i32>} : memref<1024xf32, #tpu.memory_space<vmem>>, vector<16xf32>,
      %broadcast_in_dim3A = arith.constant 0 : i32
      %broadcast_in_dim3A_117 = vector.broadcast %broadcast_in_dim3A : i32 to vector<16xi32>
      %broadcast_in_dim3A_118 = arith.constant 0xFF800000 : f32
      %broadcast_in_dim3A_119 = vector.broadcast %broadcast_in_dim3A_118 : f32 to vector<16xf32>
      %broadcast_in_dim3A_120 = arith.constant 0 : i32
      %broadcast_in_dim3A_121 = vector.broadcast %broadcast_in_dim3A_120 : i32 to vector<16xi32>
      %gt3A = arith.cmpf ogt, %get3A_104, %get3A_102 : vector<16xf32>
      %gt3A_122 = arith.cmpf ogt, %get3A_104, %broadcast_in_dim3A_119 : vector<16xf32>
      %select_n3A = arith.select %gt3A_122, %get3A_104, %broadcast_in_dim3A_119 : vector<16xi1>, vector<16xf32>
      %select_n3A_123 = arith.select %gt3A, %get3A_102, %select_n3A : vector<16xi1>, vector<16xf32>
      %jit3A = arith.constant 1 : i32
      %broadcast_in_dim3A_124 = vector.broadcast %jit3A : i32 to vector<16xi32>
      %select_n3A_125 = arith.select %gt3A_122, %broadcast_in_dim3A_124, %broadcast_in_dim3A_121 : vector<16xi1>, vector<16xi32>
      %select_n3A_126 = arith.select %gt3A, %broadcast_in_dim3A_117, %select_n3A_125 : vector<16xi1>, vector<16xi32>
      %select_n3A_127 = arith.select %gt3A, %get3A_104, %get3A_102 : vector<16xi1>, vector<16xf32>
      %jit3A_128 = arith.constant 1 : i32
      %broadcast_in_dim3A_129 = vector.broadcast %jit3A_128 : i32 to vector<16xi32>
      %select_n3A_130 = arith.select %gt3A, %broadcast_in_dim3A_129, %broadcast_in_dim3A_117 : vector<16xi1>, vector<16xi32>
      %gt3A_131 = arith.cmpf ogt, %get3A_106, %select_n3A_127 : vector<16xf32>
      %gt3A_132 = arith.cmpf ogt, %get3A_106, %select_n3A_123 : vector<16xf32>
      %select_n3A_133 = arith.select %gt3A_132, %get3A_106, %select_n3A_123 : vector<16xi1>, vector<16xf32>
      %select_n3A_134 = arith.select %gt3A_131, %select_n3A_127, %select_n3A_133 : vector<16xi1>, vector<16xf32>
      %jit3A_135 = arith.constant 2 : i32
      %broadcast_in_dim3A_136 = vector.broadcast %jit3A_135 : i32 to vector<16xi32>
      %select_n3A_137 = arith.select %gt3A_132, %broadcast_in_dim3A_136, %select_n3A_126 : vector<16xi1>, vector<16xi32>
      %select_n3A_138 = arith.select %gt3A_131, %select_n3A_130, %select_n3A_137 : vector<16xi1>, vector<16xi32>
      %select_n3A_139 = arith.select %gt3A_131, %get3A_106, %select_n3A_127 : vector<16xi1>, vector<16xf32>
      %jit3A_140 = arith.constant 2 : i32
      %broadcast_in_dim3A_141 = vector.broadcast %jit3A_140 : i32 to vector<16xi32>
      %select_n3A_142 = arith.select %gt3A_131, %broadcast_in_dim3A_141, %select_n3A_130 : vector<16xi1>, vector<16xi32>
      %gt3A_143 = arith.cmpf ogt, %get3A_108, %select_n3A_139 : vector<16xf32>
      %gt3A_144 = arith.cmpf ogt, %get3A_108, %select_n3A_134 : vector<16xf32>
      %select_n3A_145 = arith.select %gt3A_144, %get3A_108, %select_n3A_134 : vector<16xi1>, vector<16xf32>
      %select_n3A_146 = arith.select %gt3A_143, %select_n3A_139, %select_n3A_145 : vector<16xi1>, vector<16xf32>
      %jit3A_147 = arith.constant 3 : i32
      %broadcast_in_dim3A_148 = vector.broadcast %jit3A_147 : i32 to vector<16xi32>
      %select_n3A_149 = arith.select %gt3A_144, %broadcast_in_dim3A_148, %select_n3A_138 : vector<16xi1>, vector<16xi32>
      %select_n3A_150 = arith.select %gt3A_143, %select_n3A_142, %select_n3A_149 : vector<16xi1>, vector<16xi32>
      %select_n3A_151 = arith.select %gt3A_143, %get3A_108, %select_n3A_139 : vector<16xi1>, vector<16xf32>
      %jit3A_152 = arith.constant 3 : i32
      %broadcast_in_dim3A_153 = vector.broadcast %jit3A_152 : i32 to vector<16xi32>
      %select_n3A_154 = arith.select %gt3A_143, %broadcast_in_dim3A_153, %select_n3A_142 : vector<16xi1>, vector<16xi32>
      %gt3A_155 = arith.cmpf ogt, %get3A_110, %select_n3A_151 : vector<16xf32>
      %gt3A_156 = arith.cmpf ogt, %get3A_110, %select_n3A_146 : vector<16xf32>
      %select_n3A_157 = arith.select %gt3A_156, %get3A_110, %select_n3A_146 : vector<16xi1>, vector<16xf32>
      %select_n3A_158 = arith.select %gt3A_155, %select_n3A_151, %select_n3A_157 : vector<16xi1>, vector<16xf32>
      %jit3A_159 = arith.constant 4 : i32
      %broadcast_in_dim3A_160 = vector.broadcast %jit3A_159 : i32 to vector<16xi32>
      %select_n3A_161 = arith.select %gt3A_156, %broadcast_in_dim3A_160, %select_n3A_150 : vector<16xi1>, vector<16xi32>
      %select_n3A_162 = arith.select %gt3A_155, %select_n3A_154, %select_n3A_161 : vector<16xi1>, vector<16xi32>
      %select_n3A_163 = arith.select %gt3A_155, %get3A_110, %select_n3A_151 : vector<16xi1>, vector<16xf32>
      %jit3A_164 = arith.constant 4 : i32
      %broadcast_in_dim3A_165 = vector.broadcast %jit3A_164 : i32 to vector<16xi32>
      %select_n3A_166 = arith.select %gt3A_155, %broadcast_in_dim3A_165, %select_n3A_154 : vector<16xi1>, vector<16xi32>
      %gt3A_167 = arith.cmpf ogt, %get3A_112, %select_n3A_163 : vector<16xf32>
      %gt3A_168 = arith.cmpf ogt, %get3A_112, %select_n3A_158 : vector<16xf32>
      %select_n3A_169 = arith.select %gt3A_168, %get3A_112, %select_n3A_158 : vector<16xi1>, vector<16xf32>
      %select_n3A_170 = arith.select %gt3A_167, %select_n3A_163, %select_n3A_169 : vector<16xi1>, vector<16xf32>
      %jit3A_171 = arith.constant 5 : i32
      %broadcast_in_dim3A_172 = vector.broadcast %jit3A_171 : i32 to vector<16xi32>
      %select_n3A_173 = arith.select %gt3A_168, %broadcast_in_dim3A_172, %select_n3A_162 : vector<16xi1>, vector<16xi32>
      %select_n3A_174 = arith.select %gt3A_167, %select_n3A_166, %select_n3A_173 : vector<16xi1>, vector<16xi32>
      %select_n3A_175 = arith.select %gt3A_167, %get3A_112, %select_n3A_163 : vector<16xi1>, vector<16xf32>
      %jit3A_176 = arith.constant 5 : i32
      %broadcast_in_dim3A_177 = vector.broadcast %jit3A_176 : i32 to vector<16xi32>
      %select_n3A_178 = arith.select %gt3A_167, %broadcast_in_dim3A_177, %select_n3A_166 : vector<16xi1>, vector<16xi32>
      %gt3A_179 = arith.cmpf ogt, %get3A_114, %select_n3A_175 : vector<16xf32>
      %gt3A_180 = arith.cmpf ogt, %get3A_114, %select_n3A_170 : vector<16xf32>
      %select_n3A_181 = arith.select %gt3A_180, %get3A_114, %select_n3A_170 : vector<16xi1>, vector<16xf32>
      %select_n3A_182 = arith.select %gt3A_179, %select_n3A_175, %select_n3A_181 : vector<16xi1>, vector<16xf32>
      %jit3A_183 = arith.constant 6 : i32
      %broadcast_in_dim3A_184 = vector.broadcast %jit3A_183 : i32 to vector<16xi32>
      %select_n3A_185 = arith.select %gt3A_180, %broadcast_in_dim3A_184, %select_n3A_174 : vector<16xi1>, vector<16xi32>
      %select_n3A_186 = arith.select %gt3A_179, %select_n3A_178, %select_n3A_185 : vector<16xi1>, vector<16xi32>
      %select_n3A_187 = arith.select %gt3A_179, %get3A_114, %select_n3A_175 : vector<16xi1>, vector<16xf32>
      %jit3A_188 = arith.constant 6 : i32
      %broadcast_in_dim3A_189 = vector.broadcast %jit3A_188 : i32 to vector<16xi32>
      %select_n3A_190 = arith.select %gt3A_179, %broadcast_in_dim3A_189, %select_n3A_178 : vector<16xi1>, vector<16xi32>
      %gt3A_191 = arith.cmpf ogt, %get3A_116, %select_n3A_187 : vector<16xf32>
      %gt3A_192 = arith.cmpf ogt, %get3A_116, %select_n3A_182 : vector<16xf32>
      %select_n3A_193 = arith.select %gt3A_192, %get3A_116, %select_n3A_182 : vector<16xi1>, vector<16xf32>
      %select_n3A_194 = arith.select %gt3A_191, %select_n3A_187, %select_n3A_193 : vector<16xi1>, vector<16xf32>
      %jit3A_195 = arith.constant 7 : i32
      %broadcast_in_dim3A_196 = vector.broadcast %jit3A_195 : i32 to vector<16xi32>
      %select_n3A_197 = arith.select %gt3A_192, %broadcast_in_dim3A_196, %select_n3A_186 : vector<16xi1>, vector<16xi32>
      %select_n3A_198 = arith.select %gt3A_191, %select_n3A_190, %select_n3A_197 : vector<16xi1>, vector<16xi32>
      %select_n3A_199 = arith.select %gt3A_191, %get3A_116, %select_n3A_187 : vector<16xi1>, vector<16xf32>
      %jit3A_200 = arith.constant 7 : i32
      %broadcast_in_dim3A_201 = vector.broadcast %jit3A_200 : i32 to vector<16xi32>
      %select_n3A_202 = arith.select %gt3A_191, %broadcast_in_dim3A_201, %select_n3A_190 : vector<16xi1>, vector<16xi32>
      %sub3A = arith.subf %select_n3A_194, %select_n3A_199 : vector<16xf32>
      %exp3A = math.exp %sub3A : vector<16xf32>
      %add3A_203 = arith.constant 1.000000e+00 : f32
      %add3A_204 = vector.broadcast %add3A_203 : f32 to vector<16xf32>
      %add3A_205 = arith.addf %add3A_204, %exp3A : vector<16xf32>
      %div3A = arith.constant 1.000000e+00 : f32
      %div3A_206 = vector.broadcast %div3A : f32 to vector<16xf32>
      %div3A_207 = arith.divf %div3A_206, %add3A_205 : vector<16xf32>
      %mul3A_208 = arith.mulf %exp3A, %div3A_207 : vector<16xf32>
      %broadcast_in_dim3A_209 = arith.constant 0.000000e+00 : f32
      %broadcast_in_dim3A_210 = vector.broadcast %broadcast_in_dim3A_209 : f32 to vector<16xf32>
      %iota3A = tpu.iota {dimensions = array<i32: 0>} : vector<16xi32>
      %add3A_211 = vector.broadcast %add3A_101 : i32 to vector<16xi32>
      %add3A_212 = arith.addi %add3A_211, %iota3A : vector<16xi32>
      %mul3A_213 = arith.constant 8 : i32
      %mul3A_214 = vector.broadcast %mul3A_213 : i32 to vector<16xi32>
      %mul3A_215 = arith.muli %add3A_212, %mul3A_214 : vector<16xi32>
      %iota3A_216 = tpu.iota {dimensions = array<i32: 0>} : vector<16xi32>
      %add3A_217 = vector.broadcast %add3A_101 : i32 to vector<16xi32>
      %add3A_218 = arith.addi %add3A_217, %iota3A_216 : vector<16xi32>
      %mul3A_219 = arith.constant 2 : i32
      %mul3A_220 = vector.broadcast %mul3A_219 : i32 to vector<16xi32>
      %mul3A_221 = arith.muli %add3A_218, %mul3A_220 : vector<16xi32>
      %eq3A = arith.constant 0 : i32
      %eq3A_222 = vector.broadcast %eq3A : i32 to vector<16xi32>
      %eq3A_223 = arith.cmpi eq, %select_n3A_202, %eq3A_222 : vector<16xi32>
      %eq3A_224 = arith.constant 0 : i32
      %eq3A_225 = vector.broadcast %eq3A_224 : i32 to vector<16xi32>
      %eq3A_226 = arith.cmpi eq, %select_n3A_198, %eq3A_225 : vector<16xi32>
      %select_n3A_227 = arith.select %eq3A_226, %mul3A_208, %broadcast_in_dim3A_210 : vector<16xi1>, vector<16xf32>
      %select_n3A_228 = arith.select %eq3A_223, %div3A_207, %select_n3A_227 : vector<16xi1>, vector<16xf32>
      %add3A_229 = arith.constant 0 : i32
      %add3A_230 = vector.broadcast %add3A_229 : i32 to vector<16xi32>
      %add3A_231 = arith.addi %mul3A_215, %add3A_230 : vector<16xi32>
      tpu.vector_store_idx %arg13[%add3A_231], %select_n3A_228 : memref<8192xf32, #tpu.memory_space<vmem>>[vector<16xi32>], vector<16xf32>,
      %eq3A_232 = arith.constant 1 : i32
      %eq3A_233 = vector.broadcast %eq3A_232 : i32 to vector<16xi32>
      %eq3A_234 = arith.cmpi eq, %select_n3A_202, %eq3A_233 : vector<16xi32>
      %eq3A_235 = arith.constant 1 : i32
      %eq3A_236 = vector.broadcast %eq3A_235 : i32 to vector<16xi32>
      %eq3A_237 = arith.cmpi eq, %select_n3A_198, %eq3A_236 : vector<16xi32>
      %select_n3A_238 = arith.select %eq3A_237, %mul3A_208, %broadcast_in_dim3A_210 : vector<16xi1>, vector<16xf32>
      %select_n3A_239 = arith.select %eq3A_234, %div3A_207, %select_n3A_238 : vector<16xi1>, vector<16xf32>
      %add3A_240 = arith.constant 1 : i32
      %add3A_241 = vector.broadcast %add3A_240 : i32 to vector<16xi32>
      %add3A_242 = arith.addi %mul3A_215, %add3A_241 : vector<16xi32>
      tpu.vector_store_idx %arg13[%add3A_242], %select_n3A_239 : memref<8192xf32, #tpu.memory_space<vmem>>[vector<16xi32>], vector<16xf32>,
      %eq3A_243 = arith.constant 2 : i32
      %eq3A_244 = vector.broadcast %eq3A_243 : i32 to vector<16xi32>
      %eq3A_245 = arith.cmpi eq, %select_n3A_202, %eq3A_244 : vector<16xi32>
      %eq3A_246 = arith.constant 2 : i32
      %eq3A_247 = vector.broadcast %eq3A_246 : i32 to vector<16xi32>
      %eq3A_248 = arith.cmpi eq, %select_n3A_198, %eq3A_247 : vector<16xi32>
      %select_n3A_249 = arith.select %eq3A_248, %mul3A_208, %broadcast_in_dim3A_210 : vector<16xi1>, vector<16xf32>
      %select_n3A_250 = arith.select %eq3A_245, %div3A_207, %select_n3A_249 : vector<16xi1>, vector<16xf32>
      %add3A_251 = arith.constant 2 : i32
      %add3A_252 = vector.broadcast %add3A_251 : i32 to vector<16xi32>
      %add3A_253 = arith.addi %mul3A_215, %add3A_252 : vector<16xi32>
      tpu.vector_store_idx %arg13[%add3A_253], %select_n3A_250 : memref<8192xf32, #tpu.memory_space<vmem>>[vector<16xi32>], vector<16xf32>,
      %eq3A_254 = arith.constant 3 : i32
      %eq3A_255 = vector.broadcast %eq3A_254 : i32 to vector<16xi32>
      %eq3A_256 = arith.cmpi eq, %select_n3A_202, %eq3A_255 : vector<16xi32>
      %eq3A_257 = arith.constant 3 : i32
      %eq3A_258 = vector.broadcast %eq3A_257 : i32 to vector<16xi32>
      %eq3A_259 = arith.cmpi eq, %select_n3A_198, %eq3A_258 : vector<16xi32>
      %select_n3A_260 = arith.select %eq3A_259, %mul3A_208, %broadcast_in_dim3A_210 : vector<16xi1>, vector<16xf32>
      %select_n3A_261 = arith.select %eq3A_256, %div3A_207, %select_n3A_260 : vector<16xi1>, vector<16xf32>
      %add3A_262 = arith.constant 3 : i32
      %add3A_263 = vector.broadcast %add3A_262 : i32 to vector<16xi32>
      %add3A_264 = arith.addi %mul3A_215, %add3A_263 : vector<16xi32>
      tpu.vector_store_idx %arg13[%add3A_264], %select_n3A_261 : memref<8192xf32, #tpu.memory_space<vmem>>[vector<16xi32>], vector<16xf32>,
      %eq3A_265 = arith.constant 4 : i32
      %eq3A_266 = vector.broadcast %eq3A_265 : i32 to vector<16xi32>
      %eq3A_267 = arith.cmpi eq, %select_n3A_202, %eq3A_266 : vector<16xi32>
      %eq3A_268 = arith.constant 4 : i32
      %eq3A_269 = vector.broadcast %eq3A_268 : i32 to vector<16xi32>
      %eq3A_270 = arith.cmpi eq, %select_n3A_198, %eq3A_269 : vector<16xi32>
      %select_n3A_271 = arith.select %eq3A_270, %mul3A_208, %broadcast_in_dim3A_210 : vector<16xi1>, vector<16xf32>
      %select_n3A_272 = arith.select %eq3A_267, %div3A_207, %select_n3A_271 : vector<16xi1>, vector<16xf32>
      %add3A_273 = arith.constant 4 : i32
      %add3A_274 = vector.broadcast %add3A_273 : i32 to vector<16xi32>
      %add3A_275 = arith.addi %mul3A_215, %add3A_274 : vector<16xi32>
      tpu.vector_store_idx %arg13[%add3A_275], %select_n3A_272 : memref<8192xf32, #tpu.memory_space<vmem>>[vector<16xi32>], vector<16xf32>,
      %eq3A_276 = arith.constant 5 : i32
      %eq3A_277 = vector.broadcast %eq3A_276 : i32 to vector<16xi32>
      %eq3A_278 = arith.cmpi eq, %select_n3A_202, %eq3A_277 : vector<16xi32>
      %eq3A_279 = arith.constant 5 : i32
      %eq3A_280 = vector.broadcast %eq3A_279 : i32 to vector<16xi32>
      %eq3A_281 = arith.cmpi eq, %select_n3A_198, %eq3A_280 : vector<16xi32>
      %select_n3A_282 = arith.select %eq3A_281, %mul3A_208, %broadcast_in_dim3A_210 : vector<16xi1>, vector<16xf32>
      %select_n3A_283 = arith.select %eq3A_278, %div3A_207, %select_n3A_282 : vector<16xi1>, vector<16xf32>
      %add3A_284 = arith.constant 5 : i32
      %add3A_285 = vector.broadcast %add3A_284 : i32 to vector<16xi32>
      %add3A_286 = arith.addi %mul3A_215, %add3A_285 : vector<16xi32>
      tpu.vector_store_idx %arg13[%add3A_286], %select_n3A_283 : memref<8192xf32, #tpu.memory_space<vmem>>[vector<16xi32>], vector<16xf32>,
      %eq3A_287 = arith.constant 6 : i32
      %eq3A_288 = vector.broadcast %eq3A_287 : i32 to vector<16xi32>
      %eq3A_289 = arith.cmpi eq, %select_n3A_202, %eq3A_288 : vector<16xi32>
      %eq3A_290 = arith.constant 6 : i32
      %eq3A_291 = vector.broadcast %eq3A_290 : i32 to vector<16xi32>
      %eq3A_292 = arith.cmpi eq, %select_n3A_198, %eq3A_291 : vector<16xi32>
      %select_n3A_293 = arith.select %eq3A_292, %mul3A_208, %broadcast_in_dim3A_210 : vector<16xi1>, vector<16xf32>
      %select_n3A_294 = arith.select %eq3A_289, %div3A_207, %select_n3A_293 : vector<16xi1>, vector<16xf32>
      %add3A_295 = arith.constant 6 : i32
      %add3A_296 = vector.broadcast %add3A_295 : i32 to vector<16xi32>
      %add3A_297 = arith.addi %mul3A_215, %add3A_296 : vector<16xi32>
      tpu.vector_store_idx %arg13[%add3A_297], %select_n3A_294 : memref<8192xf32, #tpu.memory_space<vmem>>[vector<16xi32>], vector<16xf32>,
      %eq3A_298 = arith.constant 7 : i32
      %eq3A_299 = vector.broadcast %eq3A_298 : i32 to vector<16xi32>
      %eq3A_300 = arith.cmpi eq, %select_n3A_202, %eq3A_299 : vector<16xi32>
      %eq3A_301 = arith.constant 7 : i32
      %eq3A_302 = vector.broadcast %eq3A_301 : i32 to vector<16xi32>
      %eq3A_303 = arith.cmpi eq, %select_n3A_198, %eq3A_302 : vector<16xi32>
      %select_n3A_304 = arith.select %eq3A_303, %mul3A_208, %broadcast_in_dim3A_210 : vector<16xi1>, vector<16xf32>
      %select_n3A_305 = arith.select %eq3A_300, %div3A_207, %select_n3A_304 : vector<16xi1>, vector<16xf32>
      %add3A_306 = arith.constant 7 : i32
      %add3A_307 = vector.broadcast %add3A_306 : i32 to vector<16xi32>
      %add3A_308 = arith.addi %mul3A_215, %add3A_307 : vector<16xi32>
      tpu.vector_store_idx %arg13[%add3A_308], %select_n3A_305 : memref<8192xf32, #tpu.memory_space<vmem>>[vector<16xi32>], vector<16xf32>,
      tpu.vector_store_idx %arg14[%mul3A_221], %select_n3A_202 : memref<2048xi32, #tpu.memory_space<vmem>>[vector<16xi32>], vector<16xi32>,
      %add3A_309 = arith.constant 1 : i32
      %add3A_310 = vector.broadcast %add3A_309 : i32 to vector<16xi32>
      %add3A_311 = arith.addi %mul3A_221, %add3A_310 : vector<16xi32>
      tpu.vector_store_idx %arg14[%add3A_311], %select_n3A_198 : memref<2048xi32, #tpu.memory_space<vmem>>[vector<16xi32>], vector<16xi32>,
    }
    %scan3A_84 = arith.constant 64 : i32
    %mul3A_85 = arith.constant 8 : i32
    %mul3A_86 = arith.muli %mul3A_2, %mul3A_85 : i32
    %dma_start3A_87 = tpu.memref_slice %arg3[%mul3A_86] : memref<262144xf32, #tpu.memory_space<hbm>> -> memref<8192xf32, #tpu.memory_space<hbm>>
    %dma_start3A_88 = tpu.memref_slice %arg3[%mul3A_86] : memref<262144xf32, #tpu.memory_space<hbm>> -> memref<8192xf32, #tpu.memory_space<hbm>>
    tpu.enqueue_dma source(%arg13 : memref<8192xf32, #tpu.memory_space<vmem>>) target(%dma_start3A_88 : memref<8192xf32, #tpu.memory_space<hbm>>) target_semaphore(%arg15 : memref<!tpu.dma_semaphore, #tpu.memory_space<semaphore_mem>>)
    %mul3A_89 = arith.constant 2 : i32
    %mul3A_90 = arith.muli %mul3A_2, %mul3A_89 : i32
    %dma_start3A_91 = tpu.memref_slice %arg4[%mul3A_90] : memref<65536xi32, #tpu.memory_space<hbm>> -> memref<2048xi32, #tpu.memory_space<hbm>>
    %dma_start3A_92 = tpu.memref_slice %arg4[%mul3A_90] : memref<65536xi32, #tpu.memory_space<hbm>> -> memref<2048xi32, #tpu.memory_space<hbm>>
    tpu.enqueue_dma source(%arg14 : memref<2048xi32, #tpu.memory_space<vmem>>) target(%dma_start3A_92 : memref<2048xi32, #tpu.memory_space<hbm>>) target_semaphore(%arg15 : memref<!tpu.dma_semaphore, #tpu.memory_space<semaphore_mem>>)
    %dma_wait3A_93 = tpu.memref_slice %arg3[%mul3A_86] : memref<262144xf32, #tpu.memory_space<hbm>> -> memref<8192xf32, #tpu.memory_space<hbm>>
    %dma_wait3A_94 = tpu.memref_slice %arg3[%mul3A_86] : memref<262144xf32, #tpu.memory_space<hbm>> -> memref<8192xf32, #tpu.memory_space<hbm>>
    tpu.wait_dma2 semaphore(%arg15 : memref<!tpu.dma_semaphore, #tpu.memory_space<semaphore_mem>>) src(%arg13 : memref<8192xf32, #tpu.memory_space<vmem>>) dst(%dma_wait3A_94 : memref<8192xf32, #tpu.memory_space<hbm>>)
    %dma_wait3A_95 = tpu.memref_slice %arg4[%mul3A_90] : memref<65536xi32, #tpu.memory_space<hbm>> -> memref<2048xi32, #tpu.memory_space<hbm>>
    %dma_wait3A_96 = tpu.memref_slice %arg4[%mul3A_90] : memref<65536xi32, #tpu.memory_space<hbm>> -> memref<2048xi32, #tpu.memory_space<hbm>>
    tpu.wait_dma2 semaphore(%arg15 : memref<!tpu.dma_semaphore, #tpu.memory_space<semaphore_mem>>) src(%arg14 : memref<2048xi32, #tpu.memory_space<vmem>>) dst(%dma_wait3A_96 : memref<2048xi32, #tpu.memory_space<hbm>>)
    return
  }
}

module attributes {stable_mosaic.version = 14 : i64} {
  func.func @_logits_kernel(%arg0: i32, %arg1: memref<4096x768xf32, #tpu.memory_space<vmem>>, %arg2: memref<768x8xf32, #tpu.memory_space<vmem>>, %arg3: memref<8x1xf32, #tpu.memory_space<vmem>>, %arg4: memref<8x4096xf32, #tpu.memory_space<vmem>>) attributes {dimension_semantics = [#tpu.dimension_semantics<arbitrary>], iteration_bounds = array<i64: 8>, scalar_prefetch = 0 : i64, scratch_operands = 0 : i64, tpu.core_type = #tpu.core_type<tc>, window_params = [{transform_indices = @transform_0, window_bounds = array<i64: 4096, 768>}, {pipeline_mode = #tpu.pipeline_mode<synchronous>, transform_indices = @transform_1, window_bounds = array<i64: 768, 8>}, {pipeline_mode = #tpu.pipeline_mode<synchronous>, transform_indices = @transform_2, window_bounds = array<i64: 8, 1>}, {transform_indices = @transform_3, window_bounds = array<i64: 8, 4096>}]} {
    %get3A = arith.constant 0 : index
    %get3A_0 = arith.constant 0 : index
    %get3A_1 = vector.load %arg1[%get3A, %get3A_0] : memref<4096x768xf32, #tpu.memory_space<vmem>>, vector<4096x768xf32>
    %get3A_2 = arith.constant 0 : index
    %get3A_3 = arith.constant 0 : index
    %get3A_4 = vector.load %arg2[%get3A_2, %get3A_3] : memref<768x8xf32, #tpu.memory_space<vmem>>, vector<768x8xf32>
    %dot_general3A = arith.constant dense<0.000000e+00> : vector<4096x8xf32>
    %dot_general3A_5 = tpu.matmul %get3A_1, %get3A_4, %dot_general3A {dimension_numbers = #tpu.dot_dimension_numbers<[1], [0], [0], [1], [0, 0, 1, 1], [], []>, transpose_lhs_hint = false} : vector<4096x768xf32>, vector<768x8xf32>, vector<4096x8xf32> -> vector<4096x8xf32>
    %transpose3A = tpu.transpose %dot_general3A_5, [1, 0] : vector<4096x8xf32> -> vector<8x4096xf32>
    %get3A_6 = arith.constant 0 : index
    %get3A_7 = arith.constant 0 : index
    %get3A_8 = vector.load %arg3[%get3A_6, %get3A_7] : memref<8x1xf32, #tpu.memory_space<vmem>>, vector<8x1xf32>
    %add3A = vector.broadcast %get3A_8 : vector<8x1xf32> to vector<8x4096xf32>
    %add3A_9 = arith.addf %transpose3A, %add3A : vector<8x4096xf32>
    %swap3A = arith.constant 0 : index
    %swap3A_10 = arith.constant 0 : index
    %swap3A_11 = vector.load %arg4[%swap3A, %swap3A_10] : memref<8x4096xf32, #tpu.memory_space<vmem>>, vector<8x4096xf32>
    tpu.vector_store %arg4[%swap3A, %swap3A_10], %add3A_9 {strides = array<i32>} : memref<8x4096xf32, #tpu.memory_space<vmem>>, vector<8x4096xf32>,
    return
  }
  func.func @transform_0(%arg0: i32) -> (i32, i32) {
    %add3A = arith.constant 0 : i32
    %add3A_0 = arith.addi %arg0, %add3A : i32
    %c0_i32 = arith.constant 0 : i32
    %c0_i32_1 = arith.constant 0 : i32
    return %add3A_0, %c0_i32 : i32, i32
  }
  func.func @transform_1(%arg0: i32) -> (i32, i32) {
    %c0_i32 = arith.constant 0 : i32
    %c0_i32_0 = arith.constant 0 : i32
    %c0_i32_1 = arith.constant 0 : i32
    return %c0_i32, %c0_i32_0 : i32, i32
  }
  func.func @transform_2(%arg0: i32) -> (i32, i32) {
    %c0_i32 = arith.constant 0 : i32
    %c0_i32_0 = arith.constant 0 : i32
    %c0_i32_1 = arith.constant 0 : i32
    return %c0_i32, %c0_i32_0 : i32, i32
  }
  func.func @transform_3(%arg0: i32) -> (i32, i32) {
    %c0_i32 = arith.constant 0 : i32
    %c0_i32_0 = arith.constant 0 : i32
    return %c0_i32, %arg0 : i32, i32
  }
}

</mosaic_0001>

<sc_bundles>
// kernel: kernel.4.cloned.1.call-start
scs
__scs_entry_jumppad:
0x0: {  	(pc) =	sbr.rel $0x88, $3  }
0x1: {  	(tag) =	ssettag $0x0;
	lr =	simm.s32 $0x1  }
0x2: {  	[smem:$0x3F9E] =	sst lr;
	_ =	strace $0xD0000000  }
0x3: {  	_ = 	snop  }
0x4: {  	_ = 	snop  }
0x5: {  	_ = 	snop  }
0x6: {  	_ = 	snop  }
0x7: {  	_ = 	snop  }
__scs_overlays_trampoline_lowered:
0x8: {  	[smem:$0x3FAD] =	sst s0  }
0x9: {  	[smem:$0x3FAE] =	sst s1  }
0xa: {  	[smem:$0x3FAF] =	sst s2  }
0xb: {  	[smem:$0x3FB0] =	sst s3  }
0xc: {  	[smem:$0x3FB1] =	sst s4  }
0xd: {  	[smem:$0x3FB2] =	sst s5  }
0xe: {  	[smem:$0x3FB3] =	sst s6  }
0xf: {  	[smem:$0x3FB4] =	sst s7  }
0x10: {  	[smem:$0x3FB5] =	sst s8  }
0x11: {  	[smem:$0x3FB6] =	sst s9;
	s0 =	simm.s32 @!p0 $0x0  }
0x12: {  	s1 =	sld [smem:$0x3F9C];
	s0 =	simm.s32 @p0 $0x1  }
0x13: {  	[smem:$0x3FB7] =	sst s0;
	s0 =	simm.s32 @!p1 $0x0  }
0x14: {  	s2 =	sld [smem:$0x3F9B];
	s0 =	simm.s32 @p1 $0x1  }
0x15: {  	[smem:$0x3FB8] =	sst s0;
	s0 =	simm.s32 @!p2 $0x0  }
0x16: {  	s3 =	sld [smem:$0x3FDB];
	s0 =	simm.s32 @p2 $0x1  }
0x17: {  	s4 =	simm.s32 $0x1BF5;
	[smem:$0x3FBA] =	sst s0  }
0x18: {  	s0 =	sld [smem:$0x3F9D];
	_ =	swait.ge [sflag:s4], $0x0  }
0x19: {  	s7 =	sld [smem:$0x3F9E]  }
0x1a: {  	s8 =	sadd.s32 $0xFFFFE003, lr  }
0x1b: {  	s9 =	sadd.s32 $0xFFFFFEF7, lr;
	s5 =	simm.s32 $0xFFFFFFFF;
	p2 =	slt.u32 s8, $0xFFFFF086  }
0x1c: {  	p1 =	slt.u32 s9, $0xF7A;
	s5 =	simm.s32 @!p2 $0x0  }
0x1d: {  	s5 =	simm.s32 @p1 $0x1;
	p0 =	seq.s32 s7, s2  }
0x1e: {  	s7 =	smul.u32 @!p0 $0xF7A, s2;
	p2 =	seq.s32 @!p0 s5, $0x0  }
0x1f: {  	s9 =	smul.u32 $0xF7A, s1;
	s8 =	simm.s32 @!p0 $0x1BF5;
	p2 =	por !p2, p0  }
0x20: {  	[sflag:s8] =	ssyncset.s32 @!p0 $0xFFFFF086;
	s6 =	sadd.s32 @!p0 s3, s7;
	s7 =	simm.s32 @!p0 $0x108  }
0x21: {  	s3 =	sadd.s32 s3, s9;
	s6 =	sadd.s32 @!p0 $0x88, s6;
	s7 =	simm.s32 @p2 $0x1082  }
0x22: {  	[simem:s7], [sflag:s8] =	dma.local @!p0 [hbm:s6], $0xF7A  }
0x23: {  	s9 =	sor.u32 $0xD0000000, s2;
	s6 =	simm.s32 $0x108;
	_ =	swait.ge @!p0 [sflag:s8], $0x0  }
0x24: {  	s3 =	sadd.s32 $0x88, s3;
	s6 =	simm.s32 @!p1 $0x1082;
	[sflag:s4] =	ssyncset.s32 $0xFFFFF086  }
0x25: {  	[simem:s6], [sflag:s4] =	dma.local [hbm:s3], $0xF7A  }
0x26: {  	[smem:$0x3F9E] =	sst s1;
	(tag) =	ssettag s2;
	_ =	strace s9  }
0x27: {  	s1 =	sld [smem:$0x3FAE]  }
0x28: {  	s2 =	sld [smem:$0x3FAF]  }
0x29: {  	s4 =	sld [smem:$0x3FB1]  }
0x2a: {  	p0 =	seq.s32 s5, $0x0;
	s5 =	sld [smem:$0x3FB2]  }
0x2b: {  	s6 =	sld [smem:$0x3FB3]  }
0x2c: {  	s7 =	sld [smem:$0x3FB4]  }
0x2d: {  	s3 =	simm.s32 $0x108;
	s8 =	sld [smem:$0x3FB5]  }
0x2e: {  	s3 =	simm.s32 @!p0 $0x1082;
	s9 =	sld [smem:$0x3FB6]  }
0x2f: {  	lr =	sadd.s32 s0, s3;
	s0 =	sld [smem:$0x3FAD]  }
0x30: {  	s3 =	sld [smem:$0x3FB0]  }
0x31: {  	[smem:$0x3FB9] =	sst s10  }
0x32: {  	s10 =	sld [smem:$0x3FB7];
	_ =	sdelay $0x3  }
0x33: {  	p0 =	seq.s32 s10, $0x1;
	s10 =	sld [smem:$0x3FB9];
	_ =	sdelay $0x3  }
0x34: {  	[smem:$0x3FB9] =	sst s10  }
0x35: {  	s10 =	sld [smem:$0x3FB8];
	_ =	sdelay $0x3  }
0x36: {  	p1 =	seq.s32 s10, $0x1;
	s10 =	sld [smem:$0x3FB9];
	_ =	sdelay $0x3  }
0x37: {  	[smem:$0x3FB9] =	sst s10  }
0x38: {  	s10 =	sld [smem:$0x3FBA]  }
0x39: {  	_ = 	snop;
	(pc) =	sbr.ind lr, $3  }
0x3a: {  	_ = 	snop  }
0x3b: {  	_ = 	snop  }
0x3c: {  	p2 =	seq.s32 s10, $0x1;
	s10 =	sld [smem:$0x3FB9]  }
0x3d: {  	_ =	shalt  }
0x3e: {  	_ =	shalt  }
0x3f: {  	_ =	shalt  }
0x40: {  	_ =	shalt  }
0x41: {  	_ =	shalt  }
0x42: {  	_ =	shalt  }
0x43: {  	_ =	shalt  }
0x44: {  	_ =	shalt  }
0x45: {  	_ =	shalt  }
0x46: {  	_ =	shalt  }
0x47: {  	_ =	shalt  }
0x48: {  	_ =	shalt  }
0x49: {  	_ =	shalt  }
0x4a: {  	_ =	shalt  }
0x4b: {  	_ =	shalt  }
0x4c: {  	_ =	shalt  }
0x4d: {  	_ =	shalt  }
0x4e: {  	_ =	shalt  }
0x4f: {  	_ =	shalt  }
0x50: {  	_ =	shalt  }
0x51: {  	_ =	shalt  }
0x52: {  	_ =	shalt  }
0x53: {  	_ =	shalt  }
0x54: {  	_ =	shalt  }
0x55: {  	_ =	shalt  }
0x56: {  	_ =	shalt  }
0x57: {  	_ =	shalt  }
0x58: {  	_ =	shalt  }
0x59: {  	_ =	shalt  }
0x5a: {  	_ =	shalt  }
0x5b: {  	_ =	shalt  }
0x5c: {  	_ =	shalt  }
0x5d: {  	_ =	shalt  }
0x5e: {  	_ =	shalt  }
0x5f: {  	_ =	shalt  }
0x60: {  	_ =	shalt  }
0x61: {  	_ =	shalt  }
0x62: {  	_ =	shalt  }
0x63: {  	_ =	shalt  }
0x64: {  	_ =	shalt  }
0x65: {  	_ =	shalt  }
0x66: {  	_ =	shalt  }
0x67: {  	_ =	shalt  }
0x68: {  	_ =	shalt  }
0x69: {  	_ =	shalt  }
0x6a: {  	_ =	shalt  }
0x6b: {  	_ =	shalt  }
0x6c: {  	_ =	shalt  }
0x6d: {  	_ =	shalt  }
0x6e: {  	_ =	shalt  }
0x6f: {  	_ =	shalt  }
0x70: {  	_ =	shalt  }
0x71: {  	_ =	shalt  }
0x72: {  	_ =	shalt  }
0x73: {  	_ =	shalt  }
0x74: {  	_ =	shalt  }
0x75: {  	_ =	shalt  }
0x76: {  	_ =	shalt  }
0x77: {  	_ =	shalt  }
0x78: {  	_ =	shalt  }
0x79: {  	_ =	shalt  }
0x7a: {  	_ =	shalt  }
0x7b: {  	_ =	shalt  }
0x7c: {  	_ =	shalt  }
0x7d: {  	_ =	shalt  }
0x7e: {  	_ =	shalt  }
0x7f: {  	_ =	shalt  }
0x80: {  	_ =	shalt  }
0x81: {  	_ =	shalt  }
0x82: {  	_ =	shalt  }
0x83: {  	_ =	shalt  }
0x84: {  	_ =	shalt  }
0x85: {  	_ =	shalt  }
0x86: {  	_ =	shalt  }
0x87: {  	_ =	shalt  }
.Lfunc_end0:
.L_simem_size_0:
called_computation_lowered:
.L_overlay_start_0:
0x88: {  	s2 =	sld [smem:$0x3FD9]  }
0x89: {  	s3 =	sld [smem:$0x3FFE];
	_ =	sdelay $0x1  }
0x8a: {  	s1 =	srdreg.scid  }
0x8b: {  	s0 =	sand.u32 $0x1, s1  }
0x8c: {  	s14 =	sshll.u32 s0, $0xA;
	s2 =	sadd.s32 s3, s2  }
0x8d: {  	s2 =	sadd.s32 s2, s14  }
0x8e: {  	[smem:$0x3FC5] =	sst s2  }
0x8f: {  	_ = 	snop  }
0x90: {  	s2 =	sld [smem:$0x3FD0];
	_ =	sdelay $0x2  }
0x91: {  	s15 =	simm.s32 $0xA;
	s4 =	simm.s32 $0x10  }
0x92: {  	[smem:s4], [sflag:s15] =	dma.local [hbm:s2], $0x1  }
0x93: {  	_ =	swait.eq [sflag:s15], $0x1  }
0x94: {  	[sflag:s15] =	ssyncset.done $0x0  }
0x95: {  	s16 =	sld [smem:$0x10];
	[sflag:s15] =	ssyncadd.s32 $0xFFFFFFFF  }
0x96: {  	s17 =	sld [smem:$0x11];
	(tm) =	ssettm $0x1  }
0x97: {  	s18 =	sld [smem:$0x3FFB];
	_ =	sdelay $0x3  }
0x98: {  	_ =	strace s18  }
0x99: {  	s4 =	sld [smem:$0x3FFC];
	_ =	sdelay $0x3  }
0x9a: {  	_ =	strace s4  }
0x9b: {  	s4 =	sld [smem:$0x3FFD];
	_ =	sdelay $0x3  }
0x9c: {  	_ =	strace s4  }
0x9d: {  	_ =	strace $0x8FFFFFFF  }
0x9e: {  	s19 =	sld [smem:$0x3FDB];
	_ =	sdelay $0x1  }
0x9f: {  	s5 =	simm.s32 $_scs_section_size  }
0xa0: {  	s6 =	simm.s32 $_size__tile_overlayer_lowered;
	s7 =	simm.s32 $_tile_overlayer_lowered  }
0xa1: {  	s22 =	simm.s32 $0x1BFF;
	s21 =	sshll.u32 s7, $0x1;
	s4 =	sadd.s32 s5, s19  }
0xa2: {  	s8 =	simm.s32 $0x0;
	s20 =	sshll.u32 s6, $0x1;
	s6 =	sadd.s32 s21, s4  }
0xa3: {  	[timem:s8], [sflag:s22] =	dma.local [hbm:s6], s20  }
0xa4: {  	_ =	swait.ge [sflag:s22], s20  }
0xa5: {  	s5 =	ssub.s32 $0x0, s20;
	[sflag:s22] =	ssyncset.done $0x0  }
0xa6: {  	[sflag:s22] =	ssyncadd.s32 s5;
	_ =	sdelay $0x1  }
0xa7: {  	s23 =	simm.s32 $0x1B8B  }
0xa8: {  	_ =	swait.ge [sflag:s23], $0x1  }
0xa9: {  	[sflag:s23] =	ssyncset.done $0x0  }
0xaa: {  	s25 =	simm.s32 $0x1B8E;
	s24 =	sld [smem:$0x3FFE];
	[sflag:s23] =	ssyncadd.s32 $0xFFFFFFFF  }
0xab: {  	s26 =	simm.s32 $execute0_lowered;
	[smem:$0x3FD2] =	sst s25  }
0xac: {  	s6 =	sshll.u32 s26, $0x1;
	_ =	strace $0x80000046;
	[dreg:$0x1] =	wrdreg $0xFFFFFFFF  }
0xad: {  	s28 =	simm.s32 $_size_execute0_lowered;
	s4 =	sadd.s32 s4, s6;
	[dreg:$0x0] =	wrdreg $0x0  }
0xae: {  	s6 =	sshll.u32 s28, $0x1;
	[dreg:$0x2] =	wrdreg s4  }
0xaf: {  	[dreg:$0x3] =	wrdreg s6  }
0xb0: {  	[dreg:$0x4] =	wrdreg $0xC0  }
0xb1: {  	_ =	task [dreg:s8], $0x5FFFF  }
0xb2: {  	[dreg:$0x1] =	wrdreg $0xFFFFFFFF  }
0xb3: {  	[dreg:$0x0] =	wrdreg $0x60  }
0xb4: {  	[dreg:$0x2] =	wrdreg s16  }
0xb5: {  	[dreg:$0x3] =	wrdreg s24  }
0xb6: {  	[dreg:$0x4] =	wrdreg s17  }
0xb7: {  	[dreg:$0x5] =	wrdreg $0x9  }
0xb8: {  	_ =	task.clear_ibuf [dreg:s8], $0x6FFFF;
	_ =	strace $0x90000046  }
0xb9: {  	s29 =	simm.s32 $0x9;
	_ =	strace $0x80000048  }
0xba: {  	_ =	swait.ge [sflag:s29], $0x1  }
0xbb: {  	[sflag:s29] =	ssyncadd.s32 $0xFFFFFFFF  }
0xbc: {  	_ =	strace $0x90000048  }
0xbd: {  	_ =	sfence  }
0xbe: {  	s30 =	sld [smem:$0x0];
	_ =	sdelay $0x2  }
0xbf: {  	s31 =	sshll.u32 s1, $0xD;
	s1 =	sshrl.u32 s1, $0x2  }
0xc0: {  	s3 =	sand.u32 $0x4000, s31;
	s1 =	sadd.s32 s1, s30  }
0xc1: {  	s0 =	sor.u32 s3, s0;
	s1 =	sshll.u32 s1, $0x11  }
0xc2: {  	s0 =	sor.u32 s1, s0  }
0xc3: {  	s0 =	sadd.s32 $0x8F2B, s0  }
0xc4: {  	[sflag:s0] =	ssyncadd.remote.s32 $0x1  }
0xc5: {  	_ =	sfence.sel $0xFFFF  }
0xc6: {  	[dreg:$0x0] =	wrdreg $0xFFFFFFFF;
	(pc) =	sbr.abs _section_cstart, $3  }
0xc7: {  	[dreg:$0x1] =	wrdreg $0xFFFFFFFF  }
0xc8: {  	_ =	task.clear_ibuf [dreg:s8], $0x2FFFF;
	_ =	strace $0x9FFFFFFF  }
0xc9: {  	(tm) =	ssettm $0x7FFFFFFF  }
tec
execute0_lowered:
.L_overlay_start_1:
0x0: {  	(tag) =	ssettag $0x1  }
0x1: {  	s3 =	rddreg [dreg:$0x0]  }
0x2: {  	s4 =	rddreg [dreg:$0x1]  }
0x3: {  	s12 =	rddreg [dreg:$0x2]  }
0x4: {  	s0 =	rddreg [dreg:$0x3];
	s5 =	srdreg.scid  }
0x5: {  	s1 =	stileid.u32;
	s2 =	simm.s32 $0x0;
	s16 =	simm.s32 $0x800  }
0x6: {  	s17 =	simm.s32 $0xC00;
	s18 =	simm.s32 $0x1000;
	s19 =	simm.s32 $0x1400  }
0x7: {  	s20 =	simm.s32 $0x1800;
	s21 =	simm.s32 $0x1C00;
	s22 =	simm.s32 $0x1  }
0x8: {  	s23 =	simm.s32 $0x2000;
	s24 =	simm.s32 $0x4000;
	s25 =	simm.s32 $0x0  }
0x9: {  	s5 =	sand.u32 $0x1, s5;
	s6 =	sshll.u32 s1, $0x1;
	[smem:$0x7FF] =	sst s2  }
0xa: {  	s11 =	sor.u32 s5, s6;
	_ =	strace $0x80000047;
	s5 =	ssub.s32 $0x2, s5  }
0xb: {  	s6 =	sshll.u32 s11, $0xA;
	s31 =	sshrl.u32 s5, $0x1;
	s15 =	sshll.u32 s11, $0x8  }
0xc: {  	s13 =	sadd.s32 s6, s4;
	s3 =	sadd.s32 s3, s6;
	s14 =	ssub.s32 s5, s31  }
0xd: {  	s12 =	sadd.s32 s12, s15;
	s15 =	simm.s32 $0x400;
	s4 =	sadd.s32 $0x10, s3  }
0xe: {  	s5 =	sadd.s32 $0x20, s3;
	s6 =	sadd.s32 $0x30, s3;
	s7 =	sadd.s32 $0x40, s3  }
0xf: {  	s8 =	sadd.s32 $0x50, s3;
	s9 =	sadd.s32 $0x60, s3;
	s10 =	sadd.s32 $0x70, s3  }
0x10: {  	v0 =	vimm.s32 $0x0;
	v1 =	vlaneseq.u32;
	s11 =	sadd.s32 $0xC00, s13;
	s13 =	smax.u32 s14, $0x1;
	s14 =	simm.s32 $0x80  }
.LBB2_1:
0x11: {  	[tilespmem:s2], [sflag:$0x1] =	stream.strided.gather [hbm4b:s3+s14], $0x400, s15, s14, $0x38;
	[tilespmem:$0x4800] =	vst v63  }
0x12: {  	_ = 	snop  }
0x13: {  	[tilespmem:s15], [sflag:$0x1] =	stream.strided.gather [hbm4b:s4+s14], $0x400, s15, s14, $0x38;
	[tilespmem:$0x4800] =	vst v63  }
0x14: {  	_ = 	snop  }
0x15: {  	[tilespmem:s16], [sflag:$0x1] =	stream.strided.gather [hbm4b:s5+s14], $0x400, s15, s14, $0x38;
	[tilespmem:$0x4800] =	vst v63  }
0x16: {  	_ = 	snop  }
0x17: {  	[tilespmem:s17], [sflag:$0x1] =	stream.strided.gather [hbm4b:s6+s14], $0x400, s15, s14, $0x38;
	[tilespmem:$0x4800] =	vst v63  }
0x18: {  	_ = 	snop  }
0x19: {  	[tilespmem:s18], [sflag:$0x1] =	stream.strided.gather [hbm4b:s7+s14], $0x400, s15, s14, $0x38;
	[tilespmem:$0x4800] =	vst v63  }
0x1a: {  	_ = 	snop  }
0x1b: {  	[tilespmem:s19], [sflag:$0x1] =	stream.strided.gather [hbm4b:s8+s14], $0x400, s15, s14, $0x38;
	[tilespmem:$0x4800] =	vst v63  }
0x1c: {  	_ = 	snop  }
0x1d: {  	[tilespmem:s20], [sflag:$0x1] =	stream.strided.gather [hbm4b:s9+s14], $0x400, s15, s14, $0x38;
	[tilespmem:$0x4800] =	vst v63  }
0x1e: {  	_ = 	snop  }
0x1f: {  	[tilespmem:s21], [sflag:$0x1] =	stream.strided.gather [hbm4b:s10+s14], $0x400, s15, s14, $0x38;
	[tilespmem:$0x4800] =	vst v63  }
0x20: {  	_ =	swait.ge [sflag:s22], $0x400  }
0x21: {  	[sflag:s22] =	ssyncset.done $0x0  }
0x22: {  	[sflag:s22] =	ssyncadd.s32 $0xFFFFFC00  }
0x23: {  	_ =	swait.ge [sflag:s22], $0x400  }
0x24: {  	[sflag:s22] =	ssyncset.done $0x0  }
0x25: {  	[sflag:s22] =	ssyncadd.s32 $0xFFFFFC00  }
0x26: {  	_ =	swait.ge [sflag:s22], $0x400  }
0x27: {  	[sflag:s22] =	ssyncset.done $0x0  }
0x28: {  	[sflag:s22] =	ssyncadd.s32 $0xFFFFFC00  }
0x29: {  	_ =	swait.ge [sflag:s22], $0x400  }
0x2a: {  	[sflag:s22] =	ssyncset.done $0x0  }
0x2b: {  	[sflag:s22] =	ssyncadd.s32 $0xFFFFFC00  }
0x2c: {  	_ =	swait.ge [sflag:s22], $0x400  }
0x2d: {  	[sflag:s22] =	ssyncset.done $0x0  }
0x2e: {  	[sflag:s22] =	ssyncadd.s32 $0xFFFFFC00  }
0x2f: {  	_ =	swait.ge [sflag:s22], $0x400  }
0x30: {  	[sflag:s22] =	ssyncset.done $0x0  }
0x31: {  	[sflag:s22] =	ssyncadd.s32 $0xFFFFFC00  }
0x32: {  	_ =	swait.ge [sflag:s22], $0x400  }
0x33: {  	[sflag:s22] =	ssyncset.done $0x0  }
0x34: {  	[sflag:s22] =	ssyncadd.s32 $0xFFFFFC00  }
0x35: {  	_ =	swait.ge [sflag:s22], $0x400  }
0x36: {  	[sflag:s22] =	ssyncset.done $0x0  }
0x37: {  	s26 =	simm.s32 $0x0;
	[sflag:s22] =	ssyncadd.s32 $0xFFFFFC00  }
0x38: {  	v2 =	vld [tilespmem:s26+$0x400]  }
0x39: {  	v3 =	vld [tilespmem:s26+$0x0];
	_ =	sdelay $0x2  }
0x3a: {  	v4 =	vld [tilespmem:s26+$0x800]  }
0x3b: {  	vm0 =	vlt.f32 v2, $-Inf;
	vm2 =	vgt.f32 v2, $-Inf  }
0x3c: {  	vm1 =	vgt.f32 v2, v3;
	vm2 =	vmor vm2, vm0  }
0x3d: {  	v5 =	vld [tilespmem:s26+$0xC00];
	vm3 =	vmneg vm1;
	v6 =	vnsel vm2, $0xFF800000, v2  }
0x3e: {  	v6 =	vsel vm3, v6, v3  }
0x3f: {  	v2 =	vsel vm3, v3, v2;
	vm4 =	vgt.f32 v4, v6  }
0x40: {  	v3 =	vld [tilespmem:s26+$0x1000];
	vm5 =	vgt.f32 v4, v2;
	v6 =	vsel vm4, v4, v6  }
0x41: {  	v6 =	vsel vm5, v2, v6  }
0x42: {  	v2 =	vsel vm5, v4, v2;
	vm7 =	vgt.f32 v5, v6  }
0x43: {  	v4 =	vld [tilespmem:s26+$0x1400];
	vm6 =	vgt.f32 v5, v2;
	v6 =	vsel vm7, v5, v6  }
0x44: {  	v6 =	vsel vm6, v2, v6  }
0x45: {  	v2 =	vsel vm6, v5, v2;
	vm10 =	vgt.f32 v3, v6  }
0x46: {  	v5 =	vld [tilespmem:s26+$0x1800];
	vm9 =	vgt.f32 v3, v2;
	v6 =	vsel vm10, v3, v6  }
0x47: {  	v6 =	vsel vm9, v2, v6  }
0x48: {  	v2 =	vsel vm9, v3, v2;
	vm12 =	vgt.f32 v4, v6  }
0x49: {  	v3 =	vld [tilespmem:s26+$0x1C00];
	vm11 =	vgt.f32 v4, v2;
	v6 =	vsel vm12, v4, v6  }
0x4a: {  	v6 =	vsel vm11, v2, v6  }
0x4b: {  	v2 =	vsel vm11, v4, v2;
	vm13 =	vgt.f32 v5, v6  }
0x4c: {  	vm8 =	vgt.f32 v5, v2;
	v4 =	vsel vm13, v5, v6  }
0x4d: {  	v5 =	vsel vm8, v5, v2;
	v2 =	vsel vm8, v2, v4  }
0x4e: {  	vm0 =	vgt.f32 v3, v5;
	vm14 =	vgt.f32 v3, v2  }
0x4f: {  	vm0 =	vmneg vm0;
	v2 =	vsel vm14, v3, v2  }
0x50: {  	v3 =	vsel vm0, v5, v3;
	v2 =	vsel vm0, v2, v5  }
0x51: {  	v2 =	vsub.f32 v2, v3;
	_ =	sdelay $0x1  }
0x52: {  	v2 =	vmul.f32 $1.442695020e+00, v2;
	_ =	sdelay $0x1  }
0x53: {  	(erf) = vpow2.f32 v2;
	_ =	sdelay $0x5  }
0x54: {  	vm2 =	vmand vm3, vm2  }
0x55: {  	v2 =	vsel vm2, $0x1, v0  }
0x56: {  	v3 =	vsel vm1, $0x1, v0;
	v2 =	vsel vm4, $0x2, v2  }
0x57: {  	v2 =	vsel vm5, v3, v2;
	v4 =	vpop (erf)  }
0x58: {  	v3 =	vsel vm5, $0x2, v3;
	v2 =	vsel vm7, $0x3, v2;
	v5 =	vadd.f32 $1.000000000e+00, v4  }
0x59: {  	v2 =	vsel vm6, v3, v2  }
0x5a: {  	v3 =	vsel vm6, $0x3, v3;
	v2 =	vsel vm10, $0x4, v2;
	(erf) = vrcp.f32 v5  }
0x5b: {  	v2 =	vsel vm9, v3, v2  }
0x5c: {  	v6 =	vor.u32 s2, v1;
	v3 =	vsel vm9, $0x4, v3;
	v2 =	vsel vm12, $0x5, v2  }
0x5d: {  	v7 =	vshll.u32 v6, $0x3;
	v2 =	vsel vm11, v3, v2  }
0x5e: {  	v8 =	vor.u32 $0x4, v7;
	v3 =	vsel vm11, $0x5, v3;
	v2 =	vsel vm13, $0x6, v2  }
0x5f: {  	v9 =	vor.u32 $0x3, v7;
	v10 =	vor.u32 $0x2, v7;
	v2 =	vsel vm8, v3, v2  }
0x60: {  	v12 =	vor.u32 $0x1, v7;
	v3 =	vsel vm8, $0x6, v3;
	v2 =	vsel vm14, $0x7, v2  }
0x61: {  	v14 =	vor.u32 $0x5, v7;
	vm1 =	vmand vm8, vm0;
	v2 =	vsel vm0, v2, v3  }
0x62: {  	v3 =	vnsel vm0, $0x7, v3;
	vm2 =	veq.s32 v2, $0x6;
	vm3 =	veq.s32 v2, $0x7  }
0x63: {  	vm4 =	veq.s32 v3, $0x4;
	vm5 =	veq.s32 v3, $0x5;
	vm6 =	veq.s32 v3, $0x3;
	v11 =	vpop (erf)  }
0x64: {  	vm7 =	veq.s32 v2, $0x5;
	vm8 =	veq.s32 v2, $0x3;
	v13 =	vmul.f32 v11, v4  }
0x65: {  	vm9 =	veq.s32 v2, $0x4;
	vm10 =	veq.s32 v3, $0x1;
	vm12 =	veq.s32 v2, $0x0  }
0x66: {  	vm13 =	veq.s32 v3, $0x0;
	vm14 =	veq.s32 v2, $0x1;
	v4 =	vnsel vm12, $0x0, v13  }
0x67: {  	vm12 =	veq.s32 v2, $0x2;
	v5 =	vnsel vm14, $0x0, v13;
	v4 =	vsel vm13, v11, v4  }
0x68: {  	vm11 =	veq.s32 v3, $0x2;
	v15 =	vnsel vm12, $0x0, v13;
	v16 =	vsel vm10, v11, v5;
	[tilespmem:v7+s23+$0x0] =	vst.idx.msk $0xffff, v4  }
0x69: {  	v17 =	vnsel vm8, $0x0, v13;
	v61 =	vnsel vm9, $0x0, v13;
	v15 =	vsel vm11, v11, v15;
	[tilespmem:v12+s23+$0x0] =	vst.idx.msk $0xffff, v16  }
0x6a: {  	v5 =	vor.u32 $0x6, v7;
	v62 =	vsel vm6, v11, v17;
	v4 =	vshll.u32 v6, $0x1;
	[tilespmem:v10+s23+$0x0] =	vst.idx.msk $0xffff, v15  }
0x6b: {  	v6 =	vor.u32 $0x7, v7;
	v7 =	vnsel vm7, $0x0, v13;
	v10 =	vsel vm4, v11, v61;
	[tilespmem:v9+s23+$0x0] =	vst.idx.msk $0xffff, v62  }
0x6c: {  	v63 =	vsel vm5, v11, v7;
	v9 =	vnsel vm2, $0x0, v13;
	v13 =	vnsel vm3, $0x0, v13;
	[tilespmem:v8+s23+$0x0] =	vst.idx.msk $0xffff, v10  }
0x6d: {  	s28 =	simm.s32 $0x40;
	s31 =	simm.s32 $0x80;
	s26 =	simm.s32 $0x0;
	v7 =	vor.u32 $0x1, v4;
	v9 =	vsel vm1, v11, v9;
	v8 =	vsel vm0, v13, v11;
	[tilespmem:v14+s23+$0x0] =	vst.idx.msk $0xffff, v63  }
.LBB2_2:
0x6e: {  	s30 =	sshra.s32 s28, $0x2  }
0x6f: {  	[tilespmem:v5+s23+$0x0] =	vst.idx.msk $0xffff, v9;
	s26 =	sadd.s32 $0x10, s26;
	s28 =	smov.u32 s31;
	s29 =	sadd.s32 $0x40, s31  }
0x70: {  	p0 =	sne.s32 s31, $0xFC0;
	[tilespmem:v6+s23+$0x0] =	vst.idx.msk $0xffff, v8  }
0x71: {  	[tilespmem:v4+s24+$0x0] =	vst.idx.msk $0xffff, v3  }
0x72: {  	[tilespmem:v7+s24+$0x0] =	vst.idx.msk $0xffff, v2  }
0x73: {  	v2 =	vld [tilespmem:s30+$0x400]  }
0x74: {  	v3 =	vld [tilespmem:s30+$0x0];
	_ =	sdelay $0x2  }
0x75: {  	v4 =	vld [tilespmem:s30+$0x800]  }
0x76: {  	vm0 =	vlt.f32 v2, $-Inf;
	vm1 =	vgt.f32 v2, $-Inf  }
0x77: {  	vm2 =	vgt.f32 v2, v3;
	vm0 =	vmor vm1, vm0  }
0x78: {  	v5 =	vld [tilespmem:s30+$0xC00];
	vm1 =	vmneg vm2;
	v6 =	vnsel vm0, $0xFF800000, v2;
	v7 =	vsel vm2, $0x1, v0  }
0x79: {  	v6 =	vsel vm1, v6, v3;
	vm0 =	vmand vm1, vm0;
	v2 =	vsel vm1, v3, v2  }
0x7a: {  	v3 =	vsel vm0, $0x1, v0;
	vm0 =	vgt.f32 v4, v6  }
0x7b: {  	vm1 =	vgt.f32 v4, v2;
	v8 =	vld [tilespmem:s30+$0x1000];
	v6 =	vsel vm0, v4, v6;
	v3 =	vsel vm0, $0x2, v3  }
0x7c: {  	v6 =	vsel vm1, v2, v6;
	v3 =	vsel vm1, v7, v3;
	v2 =	vsel vm1, v4, v2  }
0x7d: {  	v4 =	vsel vm1, $0x2, v7;
	vm0 =	vgt.f32 v5, v6  }
0x7e: {  	vm1 =	vgt.f32 v5, v2;
	v7 =	vld [tilespmem:s30+$0x1400];
	v6 =	vsel vm0, v5, v6;
	v3 =	vsel vm0, $0x3, v3  }
0x7f: {  	v6 =	vsel vm1, v2, v6;
	v3 =	vsel vm1, v4, v3;
	v2 =	vsel vm1, v5, v2  }
0x80: {  	vm0 =	vgt.f32 v8, v6  }
0x81: {  	vm2 =	vgt.f32 v8, v2;
	v5 =	vld [tilespmem:s30+$0x1800];
	v6 =	vsel vm0, v8, v6;
	v3 =	vsel vm0, $0x4, v3  }
0x82: {  	v4 =	vsel vm1, $0x3, v4;
	v6 =	vsel vm2, v2, v6;
	v2 =	vsel vm2, v8, v2  }
0x83: {  	v3 =	vsel vm2, v4, v3;
	v4 =	vsel vm2, $0x4, v4;
	v8 =	vld [tilespmem:s30+$0x1C00];
	vm0 =	vgt.f32 v7, v6  }
0x84: {  	vm1 =	vgt.f32 v7, v2;
	v6 =	vsel vm0, v7, v6;
	v3 =	vsel vm0, $0x5, v3  }
0x85: {  	v6 =	vsel vm1, v2, v6;
	v3 =	vsel vm1, v4, v3;
	v2 =	vsel vm1, v7, v2  }
0x86: {  	v4 =	vsel vm1, $0x5, v4;
	vm1 =	vgt.f32 v5, v2;
	vm0 =	vgt.f32 v5, v6  }
0x87: {  	v6 =	vsel vm0, v5, v6;
	v3 =	vsel vm0, $0x6, v3;
	v5 =	vsel vm1, v5, v2  }
0x88: {  	v2 =	vsel vm1, v2, v6;
	v6 =	vsel vm1, $0x6, v4;
	vm0 =	vgt.f32 v8, v5  }
0x89: {  	v3 =	vsel vm1, v4, v3;
	vm2 =	vgt.f32 v8, v2  }
0x8a: {  	vm0 =	vmneg vm0;
	v2 =	vsel vm2, v8, v2;
	v3 =	vsel vm2, $0x7, v3  }
0x8b: {  	v4 =	vsel vm0, v2, v5;
	v2 =	vsel vm0, v3, v6;
	v5 =	vsel vm0, v5, v8  }
0x8c: {  	vm1 =	vmand vm1, vm0;
	v3 =	vnsel vm0, $0x7, v6;
	v4 =	vsub.f32 v4, v5;
	_ =	sdelay $0x1  }
0x8d: {  	v4 =	vmul.f32 $1.442695020e+00, v4;
	_ =	sdelay $0x1  }
0x8e: {  	(erf) = vpow2.f32 v4;
	_ =	sdelay $0x8  }
0x8f: {  	v4 =	vpop (erf)  }
0x90: {  	v5 =	vadd.f32 $1.000000000e+00, v4;
	_ =	sdelay $0x1  }
0x91: {  	(erf) = vrcp.f32 v5;
	_ =	sdelay $0x2  }
0x92: {  	v6 =	vor.u32 s26, v1  }
0x93: {  	v7 =	vshll.u32 v6, $0x3;
	vm2 =	veq.s32 v2, $0x6;
	vm3 =	veq.s32 v2, $0x7  }
0x94: {  	vm5 =	veq.s32 v3, $0x4;
	vm4 =	veq.s32 v3, $0x5;
	v10 =	vor.u32 $0x4, v7  }
0x95: {  	vm6 =	veq.s32 v3, $0x3;
	vm7 =	veq.s32 v2, $0x5;
	v8 =	vor.u32 $0x3, v7  }
0x96: {  	vm8 =	veq.s32 v2, $0x3;
	vm9 =	veq.s32 v2, $0x4;
	v9 =	vor.u32 $0x2, v7  }
0x97: {  	vm10 =	veq.s32 v3, $0x1;
	vm11 =	veq.s32 v3, $0x2;
	v11 =	vor.u32 $0x1, v7  }
0x98: {  	vm12 =	veq.s32 v3, $0x0;
	v12 =	vor.u32 $0x5, v7;
	v5 =	vor.u32 $0x6, v7;
	v13 =	vpop (erf)  }
0x99: {  	v14 =	vmul.f32 v13, v4;
	v4 =	vshll.u32 v6, $0x1;
	v6 =	vor.u32 $0x7, v7  }
0x9a: {  	vm13 =	veq.s32 v2, $0x0;
	vm14 =	veq.s32 v2, $0x1;
	vm15 =	veq.s32 v2, $0x2  }
0x9b: {  	v15 =	vnsel vm13, $0x0, v14;
	v16 =	vnsel vm14, $0x0, v14;
	v17 =	vnsel vm15, $0x0, v14  }
0x9c: {  	v15 =	vsel vm12, v13, v15;
	v16 =	vsel vm10, v13, v16;
	v17 =	vsel vm11, v13, v17  }
0x9d: {  	v18 =	vnsel vm7, $0x0, v14;
	[tilespmem:v7+s23+$0x0] =	vst.idx.msk $0xffff, v15;
	v7 =	vnsel vm8, $0x0, v14;
	v15 =	vnsel vm9, $0x0, v14  }
.Ltmp0:
0x9e: {  	[tilespmem:v11+s23+$0x0] =	vst.idx.msk $0xffff, v16;
	v11 =	vsel vm6, v13, v7;
	v15 =	vsel vm5, v13, v15;
	v7 =	vor.u32 $0x1, v4;
	(pc) =	sbr.rel @p0 .LBB2_2-.Ltmp0, $4  }
0x9f: {  	v16 =	vsel vm4, v13, v18;
	[tilespmem:v9+s23+$0x0] =	vst.idx.msk $0xffff, v17;
	v9 =	vnsel vm2, $0x0, v14;
	v14 =	vnsel vm3, $0x0, v14  }
0xa0: {  	[tilespmem:v8+s23+$0x0] =	vst.idx.msk $0xffff, v11;
	v9 =	vsel vm1, v13, v9;
	v8 =	vsel vm0, v14, v13  }
0xa1: {  	[tilespmem:v10+s23+$0x0] =	vst.idx.msk $0xffff, v15  }
0xa2: {  	s31 =	smov.u32 s29;
	[tilespmem:v12+s23+$0x0] =	vst.idx.msk $0xffff, v16  }
0xa3: {  	_ =	sdelay $0x3  }
0xa4: {  	[tilespmem:v5+s23+$0x0] =	vst.idx.msk $0xffff, v9  }
0xa5: {  	[tilespmem:v6+s23+$0x0] =	vst.idx.msk $0xffff, v8  }
0xa6: {  	[tilespmem:v4+s24+$0x0] =	vst.idx.msk $0xffff, v3  }
0xa7: {  	s28 =	sshra.s32 s28, $0x2;
	[tilespmem:v7+s24+$0x0] =	vst.idx.msk $0xffff, v2  }
0xa8: {  	v2 =	vld [tilespmem:s28+$0x400]  }
0xa9: {  	v3 =	vld [tilespmem:s28+$0x0];
	_ =	sdelay $0x2  }
0xaa: {  	v4 =	vld [tilespmem:s28+$0x800]  }
0xab: {  	vm0 =	vlt.f32 v2, $-Inf;
	vm2 =	vgt.f32 v2, $-Inf  }
0xac: {  	vm1 =	vgt.f32 v2, v3;
	vm2 =	vmor vm2, vm0  }
0xad: {  	v5 =	vld [tilespmem:s28+$0xC00];
	vm3 =	vmneg vm1;
	v46 =	vnsel vm2, $0xFF800000, v2  }
0xae: {  	v6 =	vsel vm3, v46, v3  }
0xaf: {  	v2 =	vsel vm3, v3, v2;
	vm4 =	vgt.f32 v4, v6  }
0xb0: {  	v3 =	vld [tilespmem:s28+$0x1000];
	vm5 =	vgt.f32 v4, v2;
	v6 =	vsel vm4, v4, v6  }
0xb1: {  	v6 =	vsel vm5, v2, v6  }
0xb2: {  	v2 =	vsel vm5, v4, v2;
	vm8 =	vgt.f32 v5, v6  }
0xb3: {  	v47 =	vld [tilespmem:s28+$0x1400];
	vm6 =	vgt.f32 v5, v2;
	v6 =	vsel vm8, v5, v6  }
0xb4: {  	v6 =	vsel vm6, v2, v6  }
0xb5: {  	v2 =	vsel vm6, v5, v2;
	vm10 =	vgt.f32 v3, v6  }
0xb6: {  	v48 =	vld [tilespmem:s28+$0x1800];
	vm9 =	vgt.f32 v3, v2;
	v6 =	vsel vm10, v3, v6  }
0xb7: {  	v6 =	vsel vm9, v2, v6  }
0xb8: {  	v2 =	vsel vm9, v3, v2;
	vm12 =	vgt.f32 v47, v6  }
0xb9: {  	v3 =	vld [tilespmem:s28+$0x1C00];
	vm11 =	vgt.f32 v47, v2;
	v6 =	vsel vm12, v47, v6  }
0xba: {  	v6 =	vsel vm11, v2, v6  }
0xbb: {  	v2 =	vsel vm11, v47, v2;
	vm13 =	vgt.f32 v48, v6  }
0xbc: {  	vm7 =	vgt.f32 v48, v2;
	v49 =	vsel vm13, v48, v6  }
0xbd: {  	v5 =	vsel vm7, v48, v2;
	v2 =	vsel vm7, v2, v49  }
0xbe: {  	vm0 =	vgt.f32 v3, v5;
	vm14 =	vgt.f32 v3, v2  }
0xbf: {  	vm0 =	vmneg vm0;
	v2 =	vsel vm14, v3, v2  }
0xc0: {  	v3 =	vsel vm0, v5, v3;
	v2 =	vsel vm0, v2, v5  }
0xc1: {  	v2 =	vsub.f32 v2, v3;
	_ =	sdelay $0x1  }
0xc2: {  	v2 =	vmul.f32 $1.442695020e+00, v2;
	_ =	sdelay $0x1  }
0xc3: {  	(erf) = vpow2.f32 v2;
	_ =	sdelay $0x6  }
0xc4: {  	vm2 =	vmand vm3, vm2  }
0xc5: {  	v2 =	vsel vm2, $0x1, v0  }
0xc6: {  	v3 =	vsel vm1, $0x1, v0;
	v2 =	vsel vm4, $0x2, v2;
	v50 =	vpop (erf)  }
0xc7: {  	v2 =	vsel vm5, v3, v2;
	v51 =	vadd.f32 $1.000000000e+00, v50  }
0xc8: {  	v3 =	vsel vm5, $0x2, v3;
	v2 =	vsel vm8, $0x3, v2  }
0xc9: {  	s26 =	sadd.s32 $0x10, s26;
	v2 =	vsel vm6, v3, v2;
	(erf) = vrcp.f32 v51  }
0xca: {  	v52 =	vor.u32 s26, v1;
	v3 =	vsel vm6, $0x3, v3;
	v2 =	vsel vm10, $0x4, v2  }
0xcb: {  	v53 =	vshll.u32 v52, $0x3;
	v2 =	vsel vm9, v3, v2  }
0xcc: {  	v54 =	vor.u32 $0x4, v53;
	v3 =	vsel vm9, $0x4, v3;
	v2 =	vsel vm12, $0x5, v2  }
0xcd: {  	v55 =	vor.u32 $0x3, v53;
	v56 =	vor.u32 $0x2, v53;
	v2 =	vsel vm11, v3, v2  }
0xce: {  	v11 =	vor.u32 $0x1, v53;
	v3 =	vsel vm11, $0x5, v3;
	v2 =	vsel vm13, $0x6, v2  }
0xcf: {  	v14 =	vor.u32 $0x5, v53;
	v57 =	vor.u32 $0x6, v53;
	v2 =	vsel vm7, v3, v2  }
0xd0: {  	v6 =	vor.u32 $0x7, v53;
	v3 =	vsel vm7, $0x6, v3;
	v2 =	vsel vm14, $0x7, v2  }
0xd1: {  	v5 =	vshll.u32 v52, $0x1;
	vm1 =	vmand vm7, vm0;
	v2 =	vsel vm0, v2, v3  }
0xd2: {  	v61 =	vor.u32 $0x1, v5;
	v3 =	vnsel vm0, $0x7, v3;
	vm3 =	veq.s32 v2, $0x6;
	v10 =	vpop (erf)  }
0xd3: {  	vm5 =	veq.s32 v3, $0x4;
	vm6 =	veq.s32 v3, $0x3;
	v4 =	vmul.f32 v10, v50  }
0xd4: {  	vm8 =	veq.s32 v2, $0x3;
	vm10 =	veq.s32 v3, $0x1;
	vm12 =	veq.s32 v2, $0x0  }
0xd5: {  	vm13 =	veq.s32 v3, $0x0;
	vm14 =	veq.s32 v2, $0x1;
	v12 =	vnsel vm12, $0x0, v4  }
0xd6: {  	vm12 =	veq.s32 v2, $0x2;
	v13 =	vnsel vm14, $0x0, v4;
	v12 =	vsel vm13, v10, v12  }
0xd7: {  	vm11 =	veq.s32 v3, $0x2;
	v15 =	vnsel vm12, $0x0, v4;
	v13 =	vsel vm10, v10, v13;
	[tilespmem:v53+s23+$0x0] =	vst.idx.msk $0xffff, v12  }
0xd8: {  	vm9 =	veq.s32 v2, $0x4;
	v16 =	vnsel vm8, $0x0, v4;
	v15 =	vsel vm11, v10, v15;
	[tilespmem:v11+s23+$0x0] =	vst.idx.msk $0xffff, v13  }
0xd9: {  	vm7 =	veq.s32 v2, $0x5;
	v58 =	vnsel vm9, $0x0, v4;
	v59 =	vsel vm6, v10, v16;
	[tilespmem:v56+s23+$0x0] =	vst.idx.msk $0xffff, v15  }
0xda: {  	vm4 =	veq.s32 v3, $0x5;
	v60 =	vnsel vm7, $0x0, v4;
	v11 =	vsel vm5, v10, v58;
	[tilespmem:v55+s23+$0x0] =	vst.idx.msk $0xffff, v59  }
0xdb: {  	vm2 =	veq.s32 v2, $0x7;
	v62 =	vnsel vm3, $0x0, v4;
	v9 =	vsel vm4, v10, v60;
	[tilespmem:v54+s23+$0x0] =	vst.idx.msk $0xffff, v11  }
0xdc: {  	v4 =	vnsel vm2, $0x0, v4;
	v63 =	vsel vm1, v10, v62;
	[tilespmem:v14+s23+$0x0] =	vst.idx.msk $0xffff, v9  }
0xdd: {  	v4 =	vsel vm0, v4, v10;
	[tilespmem:v57+s23+$0x0] =	vst.idx.msk $0xffff, v63  }
0xde: {  	[tilespmem:v6+s23+$0x0] =	vst.idx.msk $0xffff, v4  }
0xdf: {  	[tilespmem:v5+s24+$0x0] =	vst.idx.msk $0xffff, v3  }
0xe0: {  	[tilespmem:v61+s24+$0x0] =	vst.idx.msk $0xffff, v2  }
0xe1: {  	[hbm4b:s11+s2] =	stream.linear.scatter [tilespmem:s23], [sflag:$0x1], $0x2000, $0x38;
	[tilespmem:$0x4800] =	vst v63  }
0xe2: {  	s25 =	sadd.s32 $0x1, s25  }
0xe3: {  	[hbm4b:s12+s2] =	stream.linear.scatter [tilespmem:s24], [sflag:$0x1], $0x800, $0x38;
	[tilespmem:$0x4800] =	vst v63  }
0xe4: {  	p0 =	sne.s32 s25, s13;
	_ =	swait.ge [sflag:s22], $0x2000  }
.Ltmp1:
0xe5: {  	[sflag:s22] =	ssyncset.done $0x0;
	(pc) =	sbr.rel @p0 .LBB2_1-.Ltmp1, $4  }
0xe6: {  	[sflag:s22] =	ssyncadd.s32 $0xFFFFE000  }
0xe7: {  	_ =	swait.ge [sflag:s22], $0x800  }
0xe8: {  	[sflag:s22] =	ssyncset.done $0x0  }
0xe9: {  	[sflag:s22] =	ssyncadd.s32 $0xFFFFF800  }
0xea: {  	_ =	sfence.sel $0x180000  }
0xeb: {  	[bflag:$0x0] =	sbarrier.arrive $0xFFFF  }
0xec: {  	p0 =	sne.s32 s1, $0x0;
	_ =	strace $0x90000047  }
0xed: {  	s0 =	sadd.s32 @!p0 $0x100000, s0;
	[bflag:$0x2] =	sbarrier.arrive $0xFFFF  }
0xee: {  	[sflag:s0] =	ssyncadd.tile.s32 @!p0 $0x1;
	_ =	shalt  }
.Lfunc_end2:
_tile_overlayer_lowered:
.L_overlay_start_2:
0xef: {  	(tag) =	ssettag $0x2  }
0xf0: {  	s0 =	rddreg [dreg:$0x0];
	s2 =	stileid.u32  }
0xf1: {  	s1 =	rddreg [dreg:$0x1];
	p0 =	sne.s32 s2, $0x0  }
0xf2: {  	s3 =	rddreg [dreg:$0x2];
	[bflag:$0x3] =	sbarrier.arrive $0xFFFF;
	s2 =	simm.s32 @!p0 $0x1C02  }
0xf3: {  	[timem:s3], [sflag:s2] =	dma.local @!p0 [hbm:s0], s1  }
0xf4: {  	s0 =	simm.s32 @!p0 $0x2  }
0xf5: {  	_ =	swait.ge @!p0 [sflag:s0], s1  }
0xf6: {  	s1 =	ssub.s32 @!p0 $0x0, s1;
	[sflag:s0] =	ssyncset.done @!p0 $0x0  }
0xf7: {  	[sflag:s0] =	ssyncadd.s32 @!p0 s1  }
0xf8: {  	[bflag:$0x3] =	sbarrier.arrive $0xFFFF  }
0xf9: {  	_ =	shalt  }

</sc_bundles>
